<compile_context>
chip_gen: v7x
topology: tpu7x:2x2x1
jax: 0.10.2.dev20260603
libtpu: 0.0.44.dev20260713+nightly
codegen_flags: <defaults>
</compile_context>

<pallas_src>
import functools

import jax
import jax.numpy as jnp
from jax import lax
from jax.experimental import pallas as pl
from jax.experimental.pallas import tpu as pltpu
from jax.experimental.pallas import tpu_sc as plsc

N = 10000
E = 320000
D = 128
NUM_GRAPHS = 128
NUM_CLASSES = 10

NC = 2
NS = 16
NW = NC * NS
CHUNK = 128
CPT = 79
EPAD = NW * CPT * CHUNK
NPAD = 10112
ZR = NPAD // NS

NPOOL = 10240
PC = 64
RPT = NPOOL // NW
GP = 256
GZR = GP // NS

_mesh = plsc.VectorSubcoreMesh(
    core_axis_name="c", subcore_axis_name="s", num_cores=NC, num_subcores=NS)



@functools.partial(
    pl.kernel,
    out_type=jax.ShapeDtypeStruct((NC, NPAD, D), jnp.float32),
    mesh=_mesh,
    scratch_types=(
        pltpu.VMEM((CHUNK,), jnp.int32),
        pltpu.VMEM((CHUNK,), jnp.int32),
        pltpu.VMEM((CHUNK, D), jnp.float32),
        pltpu.VMEM_SHARED((NPAD, D), jnp.float32),
        pltpu.SemaphoreType.DMA,
    ),
)
def _sc_agg(h_hbm, src_hbm, dst_hbm, zeros_hbm,
            agg_out,
            src_v, dst_v, rows_v, acc_sh, sem):
    cid = lax.axis_index("c")
    sid = lax.axis_index("s")
    wid = sid * NC + cid
    pltpu.sync_copy(zeros_hbm.at[pl.ds(sid * ZR, ZR)],
                    acc_sh.at[pl.ds(sid * ZR, ZR)])
    plsc.subcore_barrier()

    def body(i, carry):
        base = (wid * CPT + i) * CHUNK
        pltpu.sync_copy(src_hbm.at[pl.ds(base, CHUNK)], src_v)
        pltpu.sync_copy(dst_hbm.at[pl.ds(base, CHUNK)], dst_v)
        pltpu.async_copy(h_hbm.at[src_v], rows_v, sem).wait()
        pltpu.sync_copy(rows_v, acc_sh.at[dst_v], add=True)
        return carry

    lax.fori_loop(0, CPT, body, 0)
    plsc.subcore_barrier()
    pltpu.sync_copy(acc_sh.at[pl.ds(sid * ZR, ZR)],
                    agg_out.at[cid, pl.ds(sid * ZR, ZR)])



@functools.partial(
    pl.kernel,
    out_type=jax.ShapeDtypeStruct((NC, NPAD, D), jnp.float32),
    mesh=_mesh,
    scratch_types=(
        pltpu.VMEM((CHUNK,), jnp.int32),
        pltpu.VMEM((CHUNK, D), jnp.float32),
        pltpu.VMEM_SHARED((NPAD, D), jnp.float32),
    ),
)
def _sc_deg(dst_hbm, zeros_hbm, ones_hbm,
            deg_out,
            dst_v, ones_v, acc_sh):
    cid = lax.axis_index("c")
    sid = lax.axis_index("s")
    wid = sid * NC + cid
    pltpu.sync_copy(zeros_hbm.at[pl.ds(sid * ZR, ZR)],
                    acc_sh.at[pl.ds(sid * ZR, ZR)])
    pltpu.sync_copy(ones_hbm, ones_v)
    plsc.subcore_barrier()

    def body(i, carry):
        base = (wid * CPT + i) * CHUNK
        pltpu.sync_copy(dst_hbm.at[pl.ds(base, CHUNK)], dst_v)
        pltpu.sync_copy(ones_v, acc_sh.at[dst_v], add=True)
        return carry

    lax.fori_loop(0, CPT, body, 0)
    plsc.subcore_barrier()
    pltpu.sync_copy(acc_sh.at[pl.ds(sid * ZR, ZR)],
                    deg_out.at[cid, pl.ds(sid * ZR, ZR)])



@functools.partial(
    pl.kernel,
    out_type=jax.ShapeDtypeStruct((NC, GP, D), jnp.float32),
    mesh=_mesh,
    scratch_types=(
        pltpu.VMEM((PC,), jnp.int32),
        pltpu.VMEM((PC, D), jnp.float32),
        pltpu.VMEM_SHARED((GP, D), jnp.float32),
    ),
)
def _sc_pool(h_hbm, b_hbm, zeros_hbm,
             g_out,
             bidx_v, rows_v, acc_sh):
    cid = lax.axis_index("c")
    sid = lax.axis_index("s")
    wid = sid * NC + cid
    pltpu.sync_copy(zeros_hbm.at[pl.ds(sid * GZR, GZR)],
                    acc_sh.at[pl.ds(sid * GZR, GZR)])
    plsc.subcore_barrier()

    def body(i, carry):
        base = wid * RPT + i * PC
        pltpu.sync_copy(b_hbm.at[pl.ds(base, PC)], bidx_v)
        pltpu.sync_copy(h_hbm.at[pl.ds(base, PC)], rows_v)
        pltpu.sync_copy(rows_v, acc_sh.at[bidx_v], add=True)
        return carry

    lax.fori_loop(0, RPT // PC, body, 0)
    plsc.subcore_barrier()
    pltpu.sync_copy(acc_sh.at[pl.ds(sid * GZR, GZR)],
                    g_out.at[cid, pl.ds(sid * GZR, GZR)])



def _tc_layer_body(p_ref, d_ref, h_ref, wl_ref, bl_ref, wr_ref, o_ref):
    deg = jnp.maximum(d_ref[0, :, 0:1] + d_ref[1, :, 0:1], 1.0)
    agg = (p_ref[0] + p_ref[1]) / deg
    dn = (((1,), (1,)), ((), ()))
    y = (lax.dot_general(agg, wl_ref[...], dn, preferred_element_type=jnp.float32)
         + lax.dot_general(h_ref[...], wr_ref[...], dn, preferred_element_type=jnp.float32)
         + bl_ref[...])
    o_ref[...] = jnp.maximum(y, 0.0)


_BN = 1000


def _tc_layer(p, dpart, h, Wl, bl, Wr):
    return pl.pallas_call(
        _tc_layer_body,
        grid=(N // _BN,),
        in_specs=[
            pl.BlockSpec((NC, _BN, D), lambda i: (0, i, 0)),
            pl.BlockSpec((NC, _BN, D), lambda i: (0, i, 0)),
            pl.BlockSpec((_BN, D), lambda i: (i, 0)),
            pl.BlockSpec((D, D), lambda i: (0, 0)),
            pl.BlockSpec((1, D), lambda i: (0, 0)),
            pl.BlockSpec((D, D), lambda i: (0, 0)),
        ],
        out_specs=pl.BlockSpec((_BN, D), lambda i: (i, 0)),
        out_shape=jax.ShapeDtypeStruct((N, D), jnp.float32),
    )(p, dpart, h, Wl, bl.reshape(1, D), Wr)



def _tc_head_body(g_ref, w1_ref, b1_ref, w2_ref, b2_ref, o_ref):
    g = jnp.maximum(g_ref[0, :NUM_GRAPHS, :] + g_ref[1, :NUM_GRAPHS, :], 0.0)
    dn = (((1,), (1,)), ((), ()))
    y = jnp.maximum(
        lax.dot_general(g, w1_ref[...], dn, preferred_element_type=jnp.float32)
        + b1_ref[...], 0.0)
    z = (lax.dot_general(y, w2_ref[...], dn, preferred_element_type=jnp.float32)
         + b2_ref[...])
    m = jnp.max(z, axis=1, keepdims=True)
    zs = z - m
    lse = jnp.log(jnp.sum(jnp.exp(zs), axis=1, keepdims=True))
    o_ref[...] = zs - lse


def _tc_head(gp, W1, b1, W2, b2):
    return pl.pallas_call(
        _tc_head_body,
        in_specs=[
            pl.BlockSpec((NC, GP, D), lambda: (0, 0, 0)),
            pl.BlockSpec((D, D), lambda: (0, 0)),
            pl.BlockSpec((1, D), lambda: (0, 0)),
            pl.BlockSpec((NUM_CLASSES, D), lambda: (0, 0)),
            pl.BlockSpec((1, NUM_CLASSES), lambda: (0, 0)),
        ],
        out_specs=pl.BlockSpec((NUM_GRAPHS, NUM_CLASSES), lambda: (0, 0)),
        out_shape=jax.ShapeDtypeStruct((NUM_GRAPHS, NUM_CLASSES), jnp.float32),
    )(gp, W1, b1.reshape(1, D), W2, b2.reshape(1, NUM_CLASSES))



def kernel(x, edge_attr, edge_index, batch, Wl0, bl0, Wr0, Wl1, bl1, Wr1,
           Wl2, bl2, Wr2, W1, b1, W2, b2):
    del edge_attr
    src_p = jnp.concatenate(
        [edge_index[0], jnp.zeros((EPAD - E,), jnp.int32)])
    dst_p = jnp.concatenate(
        [edge_index[1], jnp.full((EPAD - E,), N, jnp.int32)])
    zeros_big = jnp.zeros((NPAD, D), jnp.float32)
    ones_c = jnp.ones((CHUNK, D), jnp.float32)

    dpart = _sc_deg(dst_p, zeros_big, ones_c)
    p0 = _sc_agg(x, src_p, dst_p, zeros_big)
    h1 = _tc_layer(p0, dpart, x, Wl0, bl0, Wr0)
    p1 = _sc_agg(h1, src_p, dst_p, zeros_big)
    h2 = _tc_layer(p1, dpart, h1, Wl1, bl1, Wr1)
    p2 = _sc_agg(h2, src_p, dst_p, zeros_big)
    h3 = _tc_layer(p2, dpart, h2, Wl2, bl2, Wr2)

    h3p = jnp.concatenate([h3, jnp.zeros((NPOOL - N, D), jnp.float32)], axis=0)
    b_p = jnp.concatenate(
        [batch, jnp.full((NPOOL - N,), NUM_GRAPHS, jnp.int32)])
    gp = _sc_pool(h3p, b_p, zeros_big)
    return _tc_head(gp, W1, b1, W2, b2)

# --- scband reference (transcript-rebuilt; emitter-appended) ---
"""Pipeline reference for scband-graph-sage-45122926412013 (READ-ONLY COPY).

The authoritative reference and input builder live on the scoring server;
editing this copy changes nothing except your own understanding.
"""

import jax, jax.numpy as jnp
import numpy as np

N = 10000
E = 320000
D = 128
D_EDGE = 4
NUM_GRAPHS = 128
NUM_CLASSES = 10


def setup_inputs(seed: int = 0) -> dict:
    key = jax.random.key(seed)
    ks = jax.random.split(key, 20)
    inp = {}
    inp["x"] = jax.random.normal(ks[0], (N, D), dtype=jnp.float32)
    inp["edge_attr"] = jax.random.normal(ks[1], (E, D_EDGE), dtype=jnp.float32)
    inp["edge_index"] = jax.random.randint(ks[2], (2, E), 0, N, dtype=jnp.int32)
    inp["batch"] = jnp.sort(jax.random.randint(ks[3], (N,), 0, NUM_GRAPHS, dtype=jnp.int32))
    s = 1.0 / np.sqrt(D)
    # SAGEConv params: lin_l (neighbor agg, with bias) and lin_r (root, no bias), 3 layers
    inp["Wl0"] = jax.random.uniform(ks[4], (D, D), jnp.float32, -s, s)
    inp["bl0"] = jnp.zeros((D,), jnp.float32)
    inp["Wr0"] = jax.random.uniform(ks[5], (D, D), jnp.float32, -s, s)
    inp["Wl1"] = jax.random.uniform(ks[6], (D, D), jnp.float32, -s, s)
    inp["bl1"] = jnp.zeros((D,), jnp.float32)
    inp["Wr1"] = jax.random.uniform(ks[7], (D, D), jnp.float32, -s, s)
    inp["Wl2"] = jax.random.uniform(ks[8], (D, D), jnp.float32, -s, s)
    inp["bl2"] = jnp.zeros((D,), jnp.float32)
    inp["Wr2"] = jax.random.uniform(ks[9], (D, D), jnp.float32, -s, s)
    # seq head: Linear(128,128) -> ReLU -> Linear(128,num_classes)
    inp["W1"] = jax.random.uniform(ks[10], (D, D), jnp.float32, -s, s)
    inp["b1"] = jnp.zeros((D,), jnp.float32)
    inp["W2"] = jax.random.uniform(ks[11], (NUM_CLASSES, D), jnp.float32, -s, s)
    inp["b2"] = jnp.zeros((NUM_CLASSES,), jnp.float32)
    return inp


def reference(x, edge_attr, edge_index, batch, Wl0, bl0, Wr0, Wl1, bl1, Wr1, Wl2, bl2, Wr2, W1, b1, W2, b2):
    # edge_attr is accepted by the module's forward but unused by standard SAGEConv
    src = edge_index[0]
    dst = edge_index[1]
    deg = jax.ops.segment_sum(jnp.ones((edge_index.shape[1],), jnp.float32), dst, num_segments=N)
    deg = jnp.clip(deg, 1.0, None)

    def sage_conv(h, Wl, bl, Wr):
        msgs = jnp.take(h, src, axis=0)
        agg = jax.ops.segment_sum(msgs, dst, num_segments=N)
        agg = agg / deg[:, None]
        return agg @ Wl.T + bl + h @ Wr.T

    h = x
    for (Wl, bl, Wr) in ((Wl0, bl0, Wr0), (Wl1, bl1, Wr1), (Wl2, bl2, Wr2)):
        h = jax.nn.relu(sage_conv(h, Wl, bl, Wr))
    g = jax.ops.segment_sum(h, batch, num_segments=NUM_GRAPHS)  # global_add_pool
    g = jax.nn.relu(g)
    # dropout(p=0.5) is identity in eval mode
    g = jax.nn.relu(g @ W1.T + b1)
    g = g @ W2.T + b2
    return jax.nn.log_softmax(g, axis=1)

if __name__ == "__main__":
    import jax
    _d = setup_inputs()
    print(jax.jit(kernel)(*tuple(_d.values())))

</pallas_src>

<mosaic_0001>
#map = affine_map<(d0, d1) -> (0, 0)>
#map1 = affine_map<(d0, d1) -> (0)>
#map2 = affine_map<(d0, d1) -> (0, 0, 0)>
module attributes {stable_mosaic.version = 14 : i64} {
  func.func @_sc_agg(%arg0: i32, %arg1: i32, %arg2: memref<10000x128xf32, #tpu.memory_space<hbm>>, %arg3: memref<323584xi32, #tpu.memory_space<hbm>>, %arg4: memref<323584xi32, #tpu.memory_space<hbm>>, %arg5: memref<10112x128xf32, #tpu.memory_space<hbm>>, %arg6: memref<2x10112x128xf32, #tpu.memory_space<hbm>>, %arg7: memref<128xi32, #tpu.memory_space<vmem>>, %arg8: memref<128xi32, #tpu.memory_space<vmem>>, %arg9: memref<128x128xf32, #tpu.memory_space<vmem>>, %arg10: memref<10112x128xf32, #tpu.memory_space<vmem_shared>>, %arg11: memref<!tpu.dma_semaphore, #tpu.memory_space<semaphore_mem>>) attributes {dimension_semantics = [#tpu.dimension_semantics<core_parallel>, #tpu.dimension_semantics<subcore_parallel>], iteration_bounds = array<i64: 2, 16>, scalar_prefetch = 0 : i64, scratch_operands = 5 : i64, tpu.core_type = #tpu.core_type<sc_vector_subcore>, window_params = [{transform_indices = #map}, {transform_indices = #map1}, {transform_indices = #map1}, {transform_indices = #map}, {transform_indices = #map2}]} {
    %mul3A = arith.constant 2 : i32
    %mul3A_0 = arith.muli %arg1, %mul3A : i32
    %add3A = arith.addi %mul3A_0, %arg0 : i32
    %mul3A_1 = arith.constant 632 : i32
    %mul3A_2 = arith.muli %arg1, %mul3A_1 : i32
    %mul3A_3 = arith.constant 632 : i32
    %mul3A_4 = arith.muli %arg1, %mul3A_3 : i32
    "tpu.region"() ({
      %run_scoped3A = tpu.sem_alloc : memref<!tpu.dma_semaphore, #tpu.memory_space<semaphore_mem>>
      %dma_start3A = arith.constant 0 : i32
      %dma_start3A_15 = tpu.memref_slice %arg10[%mul3A_4, %dma_start3A] : memref<10112x128xf32, #tpu.memory_space<vmem_shared>> -> memref<632x128xf32, #tpu.memory_space<vmem_shared>>
      %dma_start3A_16 = arith.constant 0 : i32
      %dma_start3A_17 = tpu.memref_slice %arg5[%mul3A_2, %dma_start3A_16] : memref<10112x128xf32, #tpu.memory_space<hbm>> -> memref<632x128xf32, #tpu.memory_space<hbm>>
      tpu.enqueue_dma source(%dma_start3A_17 : memref<632x128xf32, #tpu.memory_space<hbm>>) target(%dma_start3A_15 : memref<632x128xf32, #tpu.memory_space<vmem_shared>>) target_semaphore(%run_scoped3A : memref<!tpu.dma_semaphore, #tpu.memory_space<semaphore_mem>>)
      %dma_wait3A = arith.constant 0 : i32
      %dma_wait3A_18 = tpu.memref_slice %arg10[%mul3A_4, %dma_wait3A] : memref<10112x128xf32, #tpu.memory_space<vmem_shared>> -> memref<632x128xf32, #tpu.memory_space<vmem_shared>>
      %dma_wait3A_19 = arith.constant 0 : i32
      %dma_wait3A_20 = tpu.memref_slice %arg5[%mul3A_2, %dma_wait3A_19] : memref<10112x128xf32, #tpu.memory_space<hbm>> -> memref<632x128xf32, #tpu.memory_space<hbm>>
      tpu.wait_dma2 semaphore(%run_scoped3A : memref<!tpu.dma_semaphore, #tpu.memory_space<semaphore_mem>>) src(%dma_wait3A_20 : memref<632x128xf32, #tpu.memory_space<hbm>>) dst(%dma_wait3A_18 : memref<632x128xf32, #tpu.memory_space<vmem_shared>>)
      tpu.yield
    }) : () -> ()
    %barrier3A = arith.constant 0 : index
    tpu.barrier barrier_id(%barrier3A)
    %scan3A = arith.constant 0 : i32
    %scan3A_5 = arith.constant 0 : i32
    %scan3A_6 = arith.constant 79 : i32
    %scan3A_7 = arith.addi %scan3A_5, %scan3A_6 : i32
    %scan3A_8 = arith.constant 1 : i32
    scf.for %scan3A_15 = %scan3A_5 to %scan3A_7 step %scan3A_8  : i32 {
      %mul3A_16 = arith.constant 79 : i32
      %mul3A_17 = arith.muli %add3A, %mul3A_16 : i32
      %add3A_18 = arith.addi %mul3A_17, %scan3A_15 : i32
      %mul3A_19 = arith.constant 128 : i32
      %mul3A_20 = arith.muli %add3A_18, %mul3A_19 : i32
      "tpu.region"() ({
        %run_scoped3A = tpu.sem_alloc : memref<!tpu.dma_semaphore, #tpu.memory_space<semaphore_mem>>
        %dma_start3A_25 = tpu.memref_slice %arg3[%mul3A_20] : memref<323584xi32, #tpu.memory_space<hbm>> -> memref<128xi32, #tpu.memory_space<hbm>>
        %dma_start3A_26 = tpu.memref_slice %arg3[%mul3A_20] : memref<323584xi32, #tpu.memory_space<hbm>> -> memref<128xi32, #tpu.memory_space<hbm>>
        tpu.enqueue_dma source(%dma_start3A_26 : memref<128xi32, #tpu.memory_space<hbm>>) target(%arg7 : memref<128xi32, #tpu.memory_space<vmem>>) target_semaphore(%run_scoped3A : memref<!tpu.dma_semaphore, #tpu.memory_space<semaphore_mem>>)
        %dma_wait3A_27 = tpu.memref_slice %arg3[%mul3A_20] : memref<323584xi32, #tpu.memory_space<hbm>> -> memref<128xi32, #tpu.memory_space<hbm>>
        %dma_wait3A_28 = tpu.memref_slice %arg3[%mul3A_20] : memref<323584xi32, #tpu.memory_space<hbm>> -> memref<128xi32, #tpu.memory_space<hbm>>
        tpu.wait_dma2 semaphore(%run_scoped3A : memref<!tpu.dma_semaphore, #tpu.memory_space<semaphore_mem>>) src(%dma_wait3A_28 : memref<128xi32, #tpu.memory_space<hbm>>) dst(%arg7 : memref<128xi32, #tpu.memory_space<vmem>>)
        tpu.yield
      }) : () -> ()
      "tpu.region"() ({
        %run_scoped3A = tpu.sem_alloc : memref<!tpu.dma_semaphore, #tpu.memory_space<semaphore_mem>>
        %dma_start3A_25 = tpu.memref_slice %arg4[%mul3A_20] : memref<323584xi32, #tpu.memory_space<hbm>> -> memref<128xi32, #tpu.memory_space<hbm>>
        %dma_start3A_26 = tpu.memref_slice %arg4[%mul3A_20] : memref<323584xi32, #tpu.memory_space<hbm>> -> memref<128xi32, #tpu.memory_space<hbm>>
        tpu.enqueue_dma source(%dma_start3A_26 : memref<128xi32, #tpu.memory_space<hbm>>) target(%arg8 : memref<128xi32, #tpu.memory_space<vmem>>) target_semaphore(%run_scoped3A : memref<!tpu.dma_semaphore, #tpu.memory_space<semaphore_mem>>)
        %dma_wait3A_27 = tpu.memref_slice %arg4[%mul3A_20] : memref<323584xi32, #tpu.memory_space<hbm>> -> memref<128xi32, #tpu.memory_space<hbm>>
        %dma_wait3A_28 = tpu.memref_slice %arg4[%mul3A_20] : memref<323584xi32, #tpu.memory_space<hbm>> -> memref<128xi32, #tpu.memory_space<hbm>>
        tpu.wait_dma2 semaphore(%run_scoped3A : memref<!tpu.dma_semaphore, #tpu.memory_space<semaphore_mem>>) src(%dma_wait3A_28 : memref<128xi32, #tpu.memory_space<hbm>>) dst(%arg8 : memref<128xi32, #tpu.memory_space<vmem>>)
        tpu.yield
      }) : () -> ()
      %dma_start3A = arith.constant 0 : i32
      %dma_start3A_21 = arith.constant 0 : i32
      %dma_start3A_22 = tpu.memref_slice %arg2[%dma_start3A, %dma_start3A_21] : memref<10000x128xf32, #tpu.memory_space<hbm>> -> memref<10000x128xf32, #tpu.memory_space<hbm>>
      tpu.enqueue_indirect_dma source(%dma_start3A_22 : memref<10000x128xf32, #tpu.memory_space<hbm>>) target(%arg9 : memref<128x128xf32, #tpu.memory_space<vmem>>) offsets(%arg7 : memref<128xi32, #tpu.memory_space<vmem>>) semaphore(%arg11 : memref<!tpu.dma_semaphore, #tpu.memory_space<semaphore_mem>>)
      %dma_wait3A = arith.constant 0 : i32
      %dma_wait3A_23 = arith.constant 0 : i32
      %dma_wait3A_24 = tpu.memref_slice %arg2[%dma_wait3A, %dma_wait3A_23] : memref<10000x128xf32, #tpu.memory_space<hbm>> -> memref<10000x128xf32, #tpu.memory_space<hbm>>
      tpu.wait_indirect_dma semaphore(%arg11 : memref<!tpu.dma_semaphore, #tpu.memory_space<semaphore_mem>>) src(%dma_wait3A_24 : memref<10000x128xf32, #tpu.memory_space<hbm>>) dst(%arg9 : memref<128x128xf32, #tpu.memory_space<vmem>>)
      "tpu.region"() ({
        %run_scoped3A = tpu.sem_alloc : memref<!tpu.dma_semaphore, #tpu.memory_space<semaphore_mem>>
        %dma_start3A_25 = arith.constant 0 : i32
        %dma_start3A_26 = arith.constant 0 : i32
        %dma_start3A_27 = tpu.memref_slice %arg10[%dma_start3A_25, %dma_start3A_26] : memref<10112x128xf32, #tpu.memory_space<vmem_shared>> -> memref<10112x128xf32, #tpu.memory_space<vmem_shared>>
        tpu.enqueue_indirect_dma source(%arg9 : memref<128x128xf32, #tpu.memory_space<vmem>>) target(%dma_start3A_27 : memref<10112x128xf32, #tpu.memory_space<vmem_shared>>) offsets(%arg8 : memref<128xi32, #tpu.memory_space<vmem>>) semaphore(%run_scoped3A : memref<!tpu.dma_semaphore, #tpu.memory_space<semaphore_mem>>) {add = true}
        %dma_wait3A_28 = arith.constant 0 : i32
        %dma_wait3A_29 = arith.constant 0 : i32
        %dma_wait3A_30 = tpu.memref_slice %arg10[%dma_wait3A_28, %dma_wait3A_29] : memref<10112x128xf32, #tpu.memory_space<vmem_shared>> -> memref<10112x128xf32, #tpu.memory_space<vmem_shared>>
        tpu.wait_indirect_dma semaphore(%run_scoped3A : memref<!tpu.dma_semaphore, #tpu.memory_space<semaphore_mem>>) src(%arg9 : memref<128x128xf32, #tpu.memory_space<vmem>>) dst(%dma_wait3A_30 : memref<10112x128xf32, #tpu.memory_space<vmem_shared>>)
        tpu.yield
      }) : () -> ()
    }
    %scan3A_9 = arith.constant 79 : i32
    %barrier3A_10 = arith.constant 0 : index
    tpu.barrier barrier_id(%barrier3A_10)
    %mul3A_11 = arith.constant 632 : i32
    %mul3A_12 = arith.muli %arg1, %mul3A_11 : i32
    %mul3A_13 = arith.constant 632 : i32
    %mul3A_14 = arith.muli %arg1, %mul3A_13 : i32
    "tpu.region"() ({
      %run_scoped3A = tpu.sem_alloc : memref<!tpu.dma_semaphore, #tpu.memory_space<semaphore_mem>>
      %dma_start3A = arith.constant 0 : i32
      %dma_start3A_15 = tpu.memref_slice %arg6[%arg0, %mul3A_14, %dma_start3A] : memref<2x10112x128xf32, #tpu.memory_space<hbm>> -> memref<1x632x128xf32, #tpu.memory_space<hbm>>
      %dma_start3A_16 = tpu.memref_squeeze %dma_start3A_15 : memref<1x632x128xf32, #tpu.memory_space<hbm>> -> memref<632x128xf32, #tpu.memory_space<hbm>>
      %dma_start3A_17 = arith.constant 0 : i32
      %dma_start3A_18 = tpu.memref_slice %arg10[%mul3A_12, %dma_start3A_17] : memref<10112x128xf32, #tpu.memory_space<vmem_shared>> -> memref<632x128xf32, #tpu.memory_space<vmem_shared>>
      tpu.enqueue_dma source(%dma_start3A_18 : memref<632x128xf32, #tpu.memory_space<vmem_shared>>) target(%dma_start3A_16 : memref<632x128xf32, #tpu.memory_space<hbm>>) target_semaphore(%run_scoped3A : memref<!tpu.dma_semaphore, #tpu.memory_space<semaphore_mem>>)
      %dma_wait3A = arith.constant 0 : i32
      %dma_wait3A_19 = tpu.memref_slice %arg6[%arg0, %mul3A_14, %dma_wait3A] : memref<2x10112x128xf32, #tpu.memory_space<hbm>> -> memref<1x632x128xf32, #tpu.memory_space<hbm>>
      %dma_wait3A_20 = tpu.memref_squeeze %dma_wait3A_19 : memref<1x632x128xf32, #tpu.memory_space<hbm>> -> memref<632x128xf32, #tpu.memory_space<hbm>>
      %dma_wait3A_21 = arith.constant 0 : i32
      %dma_wait3A_22 = tpu.memref_slice %arg10[%mul3A_12, %dma_wait3A_21] : memref<10112x128xf32, #tpu.memory_space<vmem_shared>> -> memref<632x128xf32, #tpu.memory_space<vmem_shared>>
      tpu.wait_dma2 semaphore(%run_scoped3A : memref<!tpu.dma_semaphore, #tpu.memory_space<semaphore_mem>>) src(%dma_wait3A_22 : memref<632x128xf32, #tpu.memory_space<vmem_shared>>) dst(%dma_wait3A_20 : memref<632x128xf32, #tpu.memory_space<hbm>>)
      tpu.yield
    }) : () -> ()
    return
  }
}

#map = affine_map<(d0, d1) -> (0)>
#map1 = affine_map<(d0, d1) -> (0, 0)>
#map2 = affine_map<(d0, d1) -> (0, 0, 0)>
module attributes {stable_mosaic.version = 14 : i64} {
  func.func @_sc_deg(%arg0: i32, %arg1: i32, %arg2: memref<323584xi32, #tpu.memory_space<hbm>>, %arg3: memref<10112x128xf32, #tpu.memory_space<hbm>>, %arg4: memref<128x128xf32, #tpu.memory_space<hbm>>, %arg5: memref<2x10112x128xf32, #tpu.memory_space<hbm>>, %arg6: memref<128xi32, #tpu.memory_space<vmem>>, %arg7: memref<128x128xf32, #tpu.memory_space<vmem>>, %arg8: memref<10112x128xf32, #tpu.memory_space<vmem_shared>>) attributes {dimension_semantics = [#tpu.dimension_semantics<core_parallel>, #tpu.dimension_semantics<subcore_parallel>], iteration_bounds = array<i64: 2, 16>, scalar_prefetch = 0 : i64, scratch_operands = 3 : i64, tpu.core_type = #tpu.core_type<sc_vector_subcore>, window_params = [{transform_indices = #map}, {transform_indices = #map1}, {transform_indices = #map1}, {transform_indices = #map2}]} {
    %mul3A = arith.constant 2 : i32
    %mul3A_0 = arith.muli %arg1, %mul3A : i32
    %add3A = arith.addi %mul3A_0, %arg0 : i32
    %mul3A_1 = arith.constant 632 : i32
    %mul3A_2 = arith.muli %arg1, %mul3A_1 : i32
    %mul3A_3 = arith.constant 632 : i32
    %mul3A_4 = arith.muli %arg1, %mul3A_3 : i32
    "tpu.region"() ({
      %run_scoped3A = tpu.sem_alloc : memref<!tpu.dma_semaphore, #tpu.memory_space<semaphore_mem>>
      %dma_start3A = arith.constant 0 : i32
      %dma_start3A_15 = tpu.memref_slice %arg8[%mul3A_4, %dma_start3A] : memref<10112x128xf32, #tpu.memory_space<vmem_shared>> -> memref<632x128xf32, #tpu.memory_space<vmem_shared>>
      %dma_start3A_16 = arith.constant 0 : i32
      %dma_start3A_17 = tpu.memref_slice %arg3[%mul3A_2, %dma_start3A_16] : memref<10112x128xf32, #tpu.memory_space<hbm>> -> memref<632x128xf32, #tpu.memory_space<hbm>>
      tpu.enqueue_dma source(%dma_start3A_17 : memref<632x128xf32, #tpu.memory_space<hbm>>) target(%dma_start3A_15 : memref<632x128xf32, #tpu.memory_space<vmem_shared>>) target_semaphore(%run_scoped3A : memref<!tpu.dma_semaphore, #tpu.memory_space<semaphore_mem>>)
      %dma_wait3A = arith.constant 0 : i32
      %dma_wait3A_18 = tpu.memref_slice %arg8[%mul3A_4, %dma_wait3A] : memref<10112x128xf32, #tpu.memory_space<vmem_shared>> -> memref<632x128xf32, #tpu.memory_space<vmem_shared>>
      %dma_wait3A_19 = arith.constant 0 : i32
      %dma_wait3A_20 = tpu.memref_slice %arg3[%mul3A_2, %dma_wait3A_19] : memref<10112x128xf32, #tpu.memory_space<hbm>> -> memref<632x128xf32, #tpu.memory_space<hbm>>
      tpu.wait_dma2 semaphore(%run_scoped3A : memref<!tpu.dma_semaphore, #tpu.memory_space<semaphore_mem>>) src(%dma_wait3A_20 : memref<632x128xf32, #tpu.memory_space<hbm>>) dst(%dma_wait3A_18 : memref<632x128xf32, #tpu.memory_space<vmem_shared>>)
      tpu.yield
    }) : () -> ()
    "tpu.region"() ({
      %run_scoped3A = tpu.sem_alloc : memref<!tpu.dma_semaphore, #tpu.memory_space<semaphore_mem>>
      tpu.enqueue_dma source(%arg4 : memref<128x128xf32, #tpu.memory_space<hbm>>) target(%arg7 : memref<128x128xf32, #tpu.memory_space<vmem>>) target_semaphore(%run_scoped3A : memref<!tpu.dma_semaphore, #tpu.memory_space<semaphore_mem>>)
      tpu.wait_dma2 semaphore(%run_scoped3A : memref<!tpu.dma_semaphore, #tpu.memory_space<semaphore_mem>>) src(%arg4 : memref<128x128xf32, #tpu.memory_space<hbm>>) dst(%arg7 : memref<128x128xf32, #tpu.memory_space<vmem>>)
      tpu.yield
    }) : () -> ()
    %barrier3A = arith.constant 0 : index
    tpu.barrier barrier_id(%barrier3A)
    %scan3A = arith.constant 0 : i32
    %scan3A_5 = arith.constant 0 : i32
    %scan3A_6 = arith.constant 79 : i32
    %scan3A_7 = arith.addi %scan3A_5, %scan3A_6 : i32
    %scan3A_8 = arith.constant 1 : i32
    scf.for %scan3A_15 = %scan3A_5 to %scan3A_7 step %scan3A_8  : i32 {
      %mul3A_16 = arith.constant 79 : i32
      %mul3A_17 = arith.muli %add3A, %mul3A_16 : i32
      %add3A_18 = arith.addi %mul3A_17, %scan3A_15 : i32
      %mul3A_19 = arith.constant 128 : i32
      %mul3A_20 = arith.muli %add3A_18, %mul3A_19 : i32
      "tpu.region"() ({
        %run_scoped3A = tpu.sem_alloc : memref<!tpu.dma_semaphore, #tpu.memory_space<semaphore_mem>>
        %dma_start3A = tpu.memref_slice %arg2[%mul3A_20] : memref<323584xi32, #tpu.memory_space<hbm>> -> memref<128xi32, #tpu.memory_space<hbm>>
        %dma_start3A_21 = tpu.memref_slice %arg2[%mul3A_20] : memref<323584xi32, #tpu.memory_space<hbm>> -> memref<128xi32, #tpu.memory_space<hbm>>
        tpu.enqueue_dma source(%dma_start3A_21 : memref<128xi32, #tpu.memory_space<hbm>>) target(%arg6 : memref<128xi32, #tpu.memory_space<vmem>>) target_semaphore(%run_scoped3A : memref<!tpu.dma_semaphore, #tpu.memory_space<semaphore_mem>>)
        %dma_wait3A = tpu.memref_slice %arg2[%mul3A_20] : memref<323584xi32, #tpu.memory_space<hbm>> -> memref<128xi32, #tpu.memory_space<hbm>>
        %dma_wait3A_22 = tpu.memref_slice %arg2[%mul3A_20] : memref<323584xi32, #tpu.memory_space<hbm>> -> memref<128xi32, #tpu.memory_space<hbm>>
        tpu.wait_dma2 semaphore(%run_scoped3A : memref<!tpu.dma_semaphore, #tpu.memory_space<semaphore_mem>>) src(%dma_wait3A_22 : memref<128xi32, #tpu.memory_space<hbm>>) dst(%arg6 : memref<128xi32, #tpu.memory_space<vmem>>)
        tpu.yield
      }) : () -> ()
      "tpu.region"() ({
        %run_scoped3A = tpu.sem_alloc : memref<!tpu.dma_semaphore, #tpu.memory_space<semaphore_mem>>
        %dma_start3A = arith.constant 0 : i32
        %dma_start3A_21 = arith.constant 0 : i32
        %dma_start3A_22 = tpu.memref_slice %arg8[%dma_start3A, %dma_start3A_21] : memref<10112x128xf32, #tpu.memory_space<vmem_shared>> -> memref<10112x128xf32, #tpu.memory_space<vmem_shared>>
        tpu.enqueue_indirect_dma source(%arg7 : memref<128x128xf32, #tpu.memory_space<vmem>>) target(%dma_start3A_22 : memref<10112x128xf32, #tpu.memory_space<vmem_shared>>) offsets(%arg6 : memref<128xi32, #tpu.memory_space<vmem>>) semaphore(%run_scoped3A : memref<!tpu.dma_semaphore, #tpu.memory_space<semaphore_mem>>) {add = true}
        %dma_wait3A = arith.constant 0 : i32
        %dma_wait3A_23 = arith.constant 0 : i32
        %dma_wait3A_24 = tpu.memref_slice %arg8[%dma_wait3A, %dma_wait3A_23] : memref<10112x128xf32, #tpu.memory_space<vmem_shared>> -> memref<10112x128xf32, #tpu.memory_space<vmem_shared>>
        tpu.wait_indirect_dma semaphore(%run_scoped3A : memref<!tpu.dma_semaphore, #tpu.memory_space<semaphore_mem>>) src(%arg7 : memref<128x128xf32, #tpu.memory_space<vmem>>) dst(%dma_wait3A_24 : memref<10112x128xf32, #tpu.memory_space<vmem_shared>>)
        tpu.yield
      }) : () -> ()
    }
    %scan3A_9 = arith.constant 79 : i32
    %barrier3A_10 = arith.constant 0 : index
    tpu.barrier barrier_id(%barrier3A_10)
    %mul3A_11 = arith.constant 632 : i32
    %mul3A_12 = arith.muli %arg1, %mul3A_11 : i32
    %mul3A_13 = arith.constant 632 : i32
    %mul3A_14 = arith.muli %arg1, %mul3A_13 : i32
    "tpu.region"() ({
      %run_scoped3A = tpu.sem_alloc : memref<!tpu.dma_semaphore, #tpu.memory_space<semaphore_mem>>
      %dma_start3A = arith.constant 0 : i32
      %dma_start3A_15 = tpu.memref_slice %arg5[%arg0, %mul3A_14, %dma_start3A] : memref<2x10112x128xf32, #tpu.memory_space<hbm>> -> memref<1x632x128xf32, #tpu.memory_space<hbm>>
      %dma_start3A_16 = tpu.memref_squeeze %dma_start3A_15 : memref<1x632x128xf32, #tpu.memory_space<hbm>> -> memref<632x128xf32, #tpu.memory_space<hbm>>
      %dma_start3A_17 = arith.constant 0 : i32
      %dma_start3A_18 = tpu.memref_slice %arg8[%mul3A_12, %dma_start3A_17] : memref<10112x128xf32, #tpu.memory_space<vmem_shared>> -> memref<632x128xf32, #tpu.memory_space<vmem_shared>>
      tpu.enqueue_dma source(%dma_start3A_18 : memref<632x128xf32, #tpu.memory_space<vmem_shared>>) target(%dma_start3A_16 : memref<632x128xf32, #tpu.memory_space<hbm>>) target_semaphore(%run_scoped3A : memref<!tpu.dma_semaphore, #tpu.memory_space<semaphore_mem>>)
      %dma_wait3A = arith.constant 0 : i32
      %dma_wait3A_19 = tpu.memref_slice %arg5[%arg0, %mul3A_14, %dma_wait3A] : memref<2x10112x128xf32, #tpu.memory_space<hbm>> -> memref<1x632x128xf32, #tpu.memory_space<hbm>>
      %dma_wait3A_20 = tpu.memref_squeeze %dma_wait3A_19 : memref<1x632x128xf32, #tpu.memory_space<hbm>> -> memref<632x128xf32, #tpu.memory_space<hbm>>
      %dma_wait3A_21 = arith.constant 0 : i32
      %dma_wait3A_22 = tpu.memref_slice %arg8[%mul3A_12, %dma_wait3A_21] : memref<10112x128xf32, #tpu.memory_space<vmem_shared>> -> memref<632x128xf32, #tpu.memory_space<vmem_shared>>
      tpu.wait_dma2 semaphore(%run_scoped3A : memref<!tpu.dma_semaphore, #tpu.memory_space<semaphore_mem>>) src(%dma_wait3A_22 : memref<632x128xf32, #tpu.memory_space<vmem_shared>>) dst(%dma_wait3A_20 : memref<632x128xf32, #tpu.memory_space<hbm>>)
      tpu.yield
    }) : () -> ()
    return
  }
}

#map = affine_map<(d0, d1) -> (0, 0)>
#map1 = affine_map<(d0, d1) -> (0)>
#map2 = affine_map<(d0, d1) -> (0, 0, 0)>
module attributes {stable_mosaic.version = 14 : i64} {
  func.func @_sc_agg(%arg0: i32, %arg1: i32, %arg2: memref<10000x128xf32, #tpu.memory_space<hbm>>, %arg3: memref<323584xi32, #tpu.memory_space<hbm>>, %arg4: memref<323584xi32, #tpu.memory_space<hbm>>, %arg5: memref<10112x128xf32, #tpu.memory_space<hbm>>, %arg6: memref<2x10112x128xf32, #tpu.memory_space<hbm>>, %arg7: memref<128xi32, #tpu.memory_space<vmem>>, %arg8: memref<128xi32, #tpu.memory_space<vmem>>, %arg9: memref<128x128xf32, #tpu.memory_space<vmem>>, %arg10: memref<10112x128xf32, #tpu.memory_space<vmem_shared>>, %arg11: memref<!tpu.dma_semaphore, #tpu.memory_space<semaphore_mem>>) attributes {dimension_semantics = [#tpu.dimension_semantics<core_parallel>, #tpu.dimension_semantics<subcore_parallel>], iteration_bounds = array<i64: 2, 16>, scalar_prefetch = 0 : i64, scratch_operands = 5 : i64, tpu.core_type = #tpu.core_type<sc_vector_subcore>, window_params = [{transform_indices = #map}, {transform_indices = #map1}, {transform_indices = #map1}, {transform_indices = #map}, {transform_indices = #map2}]} {
    %mul3A = arith.constant 2 : i32
    %mul3A_0 = arith.muli %arg1, %mul3A : i32
    %add3A = arith.addi %mul3A_0, %arg0 : i32
    %mul3A_1 = arith.constant 632 : i32
    %mul3A_2 = arith.muli %arg1, %mul3A_1 : i32
    %mul3A_3 = arith.constant 632 : i32
    %mul3A_4 = arith.muli %arg1, %mul3A_3 : i32
    "tpu.region"() ({
      %run_scoped3A = tpu.sem_alloc : memref<!tpu.dma_semaphore, #tpu.memory_space<semaphore_mem>>
      %dma_start3A = arith.constant 0 : i32
      %dma_start3A_15 = tpu.memref_slice %arg10[%mul3A_4, %dma_start3A] : memref<10112x128xf32, #tpu.memory_space<vmem_shared>> -> memref<632x128xf32, #tpu.memory_space<vmem_shared>>
      %dma_start3A_16 = arith.constant 0 : i32
      %dma_start3A_17 = tpu.memref_slice %arg5[%mul3A_2, %dma_start3A_16] : memref<10112x128xf32, #tpu.memory_space<hbm>> -> memref<632x128xf32, #tpu.memory_space<hbm>>
      tpu.enqueue_dma source(%dma_start3A_17 : memref<632x128xf32, #tpu.memory_space<hbm>>) target(%dma_start3A_15 : memref<632x128xf32, #tpu.memory_space<vmem_shared>>) target_semaphore(%run_scoped3A : memref<!tpu.dma_semaphore, #tpu.memory_space<semaphore_mem>>)
      %dma_wait3A = arith.constant 0 : i32
      %dma_wait3A_18 = tpu.memref_slice %arg10[%mul3A_4, %dma_wait3A] : memref<10112x128xf32, #tpu.memory_space<vmem_shared>> -> memref<632x128xf32, #tpu.memory_space<vmem_shared>>
      %dma_wait3A_19 = arith.constant 0 : i32
      %dma_wait3A_20 = tpu.memref_slice %arg5[%mul3A_2, %dma_wait3A_19] : memref<10112x128xf32, #tpu.memory_space<hbm>> -> memref<632x128xf32, #tpu.memory_space<hbm>>
      tpu.wait_dma2 semaphore(%run_scoped3A : memref<!tpu.dma_semaphore, #tpu.memory_space<semaphore_mem>>) src(%dma_wait3A_20 : memref<632x128xf32, #tpu.memory_space<hbm>>) dst(%dma_wait3A_18 : memref<632x128xf32, #tpu.memory_space<vmem_shared>>)
      tpu.yield
    }) : () -> ()
    %barrier3A = arith.constant 0 : index
    tpu.barrier barrier_id(%barrier3A)
    %scan3A = arith.constant 0 : i32
    %scan3A_5 = arith.constant 0 : i32
    %scan3A_6 = arith.constant 79 : i32
    %scan3A_7 = arith.addi %scan3A_5, %scan3A_6 : i32
    %scan3A_8 = arith.constant 1 : i32
    scf.for %scan3A_15 = %scan3A_5 to %scan3A_7 step %scan3A_8  : i32 {
      %mul3A_16 = arith.constant 79 : i32
      %mul3A_17 = arith.muli %add3A, %mul3A_16 : i32
      %add3A_18 = arith.addi %mul3A_17, %scan3A_15 : i32
      %mul3A_19 = arith.constant 128 : i32
      %mul3A_20 = arith.muli %add3A_18, %mul3A_19 : i32
      "tpu.region"() ({
        %run_scoped3A = tpu.sem_alloc : memref<!tpu.dma_semaphore, #tpu.memory_space<semaphore_mem>>
        %dma_start3A_25 = tpu.memref_slice %arg3[%mul3A_20] : memref<323584xi32, #tpu.memory_space<hbm>> -> memref<128xi32, #tpu.memory_space<hbm>>
        %dma_start3A_26 = tpu.memref_slice %arg3[%mul3A_20] : memref<323584xi32, #tpu.memory_space<hbm>> -> memref<128xi32, #tpu.memory_space<hbm>>
        tpu.enqueue_dma source(%dma_start3A_26 : memref<128xi32, #tpu.memory_space<hbm>>) target(%arg7 : memref<128xi32, #tpu.memory_space<vmem>>) target_semaphore(%run_scoped3A : memref<!tpu.dma_semaphore, #tpu.memory_space<semaphore_mem>>)
        %dma_wait3A_27 = tpu.memref_slice %arg3[%mul3A_20] : memref<323584xi32, #tpu.memory_space<hbm>> -> memref<128xi32, #tpu.memory_space<hbm>>
        %dma_wait3A_28 = tpu.memref_slice %arg3[%mul3A_20] : memref<323584xi32, #tpu.memory_space<hbm>> -> memref<128xi32, #tpu.memory_space<hbm>>
        tpu.wait_dma2 semaphore(%run_scoped3A : memref<!tpu.dma_semaphore, #tpu.memory_space<semaphore_mem>>) src(%dma_wait3A_28 : memref<128xi32, #tpu.memory_space<hbm>>) dst(%arg7 : memref<128xi32, #tpu.memory_space<vmem>>)
        tpu.yield
      }) : () -> ()
      "tpu.region"() ({
        %run_scoped3A = tpu.sem_alloc : memref<!tpu.dma_semaphore, #tpu.memory_space<semaphore_mem>>
        %dma_start3A_25 = tpu.memref_slice %arg4[%mul3A_20] : memref<323584xi32, #tpu.memory_space<hbm>> -> memref<128xi32, #tpu.memory_space<hbm>>
        %dma_start3A_26 = tpu.memref_slice %arg4[%mul3A_20] : memref<323584xi32, #tpu.memory_space<hbm>> -> memref<128xi32, #tpu.memory_space<hbm>>
        tpu.enqueue_dma source(%dma_start3A_26 : memref<128xi32, #tpu.memory_space<hbm>>) target(%arg8 : memref<128xi32, #tpu.memory_space<vmem>>) target_semaphore(%run_scoped3A : memref<!tpu.dma_semaphore, #tpu.memory_space<semaphore_mem>>)
        %dma_wait3A_27 = tpu.memref_slice %arg4[%mul3A_20] : memref<323584xi32, #tpu.memory_space<hbm>> -> memref<128xi32, #tpu.memory_space<hbm>>
        %dma_wait3A_28 = tpu.memref_slice %arg4[%mul3A_20] : memref<323584xi32, #tpu.memory_space<hbm>> -> memref<128xi32, #tpu.memory_space<hbm>>
        tpu.wait_dma2 semaphore(%run_scoped3A : memref<!tpu.dma_semaphore, #tpu.memory_space<semaphore_mem>>) src(%dma_wait3A_28 : memref<128xi32, #tpu.memory_space<hbm>>) dst(%arg8 : memref<128xi32, #tpu.memory_space<vmem>>)
        tpu.yield
      }) : () -> ()
      %dma_start3A = arith.constant 0 : i32
      %dma_start3A_21 = arith.constant 0 : i32
      %dma_start3A_22 = tpu.memref_slice %arg2[%dma_start3A, %dma_start3A_21] : memref<10000x128xf32, #tpu.memory_space<hbm>> -> memref<10000x128xf32, #tpu.memory_space<hbm>>
      tpu.enqueue_indirect_dma source(%dma_start3A_22 : memref<10000x128xf32, #tpu.memory_space<hbm>>) target(%arg9 : memref<128x128xf32, #tpu.memory_space<vmem>>) offsets(%arg7 : memref<128xi32, #tpu.memory_space<vmem>>) semaphore(%arg11 : memref<!tpu.dma_semaphore, #tpu.memory_space<semaphore_mem>>)
      %dma_wait3A = arith.constant 0 : i32
      %dma_wait3A_23 = arith.constant 0 : i32
      %dma_wait3A_24 = tpu.memref_slice %arg2[%dma_wait3A, %dma_wait3A_23] : memref<10000x128xf32, #tpu.memory_space<hbm>> -> memref<10000x128xf32, #tpu.memory_space<hbm>>
      tpu.wait_indirect_dma semaphore(%arg11 : memref<!tpu.dma_semaphore, #tpu.memory_space<semaphore_mem>>) src(%dma_wait3A_24 : memref<10000x128xf32, #tpu.memory_space<hbm>>) dst(%arg9 : memref<128x128xf32, #tpu.memory_space<vmem>>)
      "tpu.region"() ({
        %run_scoped3A = tpu.sem_alloc : memref<!tpu.dma_semaphore, #tpu.memory_space<semaphore_mem>>
        %dma_start3A_25 = arith.constant 0 : i32
        %dma_start3A_26 = arith.constant 0 : i32
        %dma_start3A_27 = tpu.memref_slice %arg10[%dma_start3A_25, %dma_start3A_26] : memref<10112x128xf32, #tpu.memory_space<vmem_shared>> -> memref<10112x128xf32, #tpu.memory_space<vmem_shared>>
        tpu.enqueue_indirect_dma source(%arg9 : memref<128x128xf32, #tpu.memory_space<vmem>>) target(%dma_start3A_27 : memref<10112x128xf32, #tpu.memory_space<vmem_shared>>) offsets(%arg8 : memref<128xi32, #tpu.memory_space<vmem>>) semaphore(%run_scoped3A : memref<!tpu.dma_semaphore, #tpu.memory_space<semaphore_mem>>) {add = true}
        %dma_wait3A_28 = arith.constant 0 : i32
        %dma_wait3A_29 = arith.constant 0 : i32
        %dma_wait3A_30 = tpu.memref_slice %arg10[%dma_wait3A_28, %dma_wait3A_29] : memref<10112x128xf32, #tpu.memory_space<vmem_shared>> -> memref<10112x128xf32, #tpu.memory_space<vmem_shared>>
        tpu.wait_indirect_dma semaphore(%run_scoped3A : memref<!tpu.dma_semaphore, #tpu.memory_space<semaphore_mem>>) src(%arg9 : memref<128x128xf32, #tpu.memory_space<vmem>>) dst(%dma_wait3A_30 : memref<10112x128xf32, #tpu.memory_space<vmem_shared>>)
        tpu.yield
      }) : () -> ()
    }
    %scan3A_9 = arith.constant 79 : i32
    %barrier3A_10 = arith.constant 0 : index
    tpu.barrier barrier_id(%barrier3A_10)
    %mul3A_11 = arith.constant 632 : i32
    %mul3A_12 = arith.muli %arg1, %mul3A_11 : i32
    %mul3A_13 = arith.constant 632 : i32
    %mul3A_14 = arith.muli %arg1, %mul3A_13 : i32
    "tpu.region"() ({
      %run_scoped3A = tpu.sem_alloc : memref<!tpu.dma_semaphore, #tpu.memory_space<semaphore_mem>>
      %dma_start3A = arith.constant 0 : i32
      %dma_start3A_15 = tpu.memref_slice %arg6[%arg0, %mul3A_14, %dma_start3A] : memref<2x10112x128xf32, #tpu.memory_space<hbm>> -> memref<1x632x128xf32, #tpu.memory_space<hbm>>
      %dma_start3A_16 = tpu.memref_squeeze %dma_start3A_15 : memref<1x632x128xf32, #tpu.memory_space<hbm>> -> memref<632x128xf32, #tpu.memory_space<hbm>>
      %dma_start3A_17 = arith.constant 0 : i32
      %dma_start3A_18 = tpu.memref_slice %arg10[%mul3A_12, %dma_start3A_17] : memref<10112x128xf32, #tpu.memory_space<vmem_shared>> -> memref<632x128xf32, #tpu.memory_space<vmem_shared>>
      tpu.enqueue_dma source(%dma_start3A_18 : memref<632x128xf32, #tpu.memory_space<vmem_shared>>) target(%dma_start3A_16 : memref<632x128xf32, #tpu.memory_space<hbm>>) target_semaphore(%run_scoped3A : memref<!tpu.dma_semaphore, #tpu.memory_space<semaphore_mem>>)
      %dma_wait3A = arith.constant 0 : i32
      %dma_wait3A_19 = tpu.memref_slice %arg6[%arg0, %mul3A_14, %dma_wait3A] : memref<2x10112x128xf32, #tpu.memory_space<hbm>> -> memref<1x632x128xf32, #tpu.memory_space<hbm>>
      %dma_wait3A_20 = tpu.memref_squeeze %dma_wait3A_19 : memref<1x632x128xf32, #tpu.memory_space<hbm>> -> memref<632x128xf32, #tpu.memory_space<hbm>>
      %dma_wait3A_21 = arith.constant 0 : i32
      %dma_wait3A_22 = tpu.memref_slice %arg10[%mul3A_12, %dma_wait3A_21] : memref<10112x128xf32, #tpu.memory_space<vmem_shared>> -> memref<632x128xf32, #tpu.memory_space<vmem_shared>>
      tpu.wait_dma2 semaphore(%run_scoped3A : memref<!tpu.dma_semaphore, #tpu.memory_space<semaphore_mem>>) src(%dma_wait3A_22 : memref<632x128xf32, #tpu.memory_space<vmem_shared>>) dst(%dma_wait3A_20 : memref<632x128xf32, #tpu.memory_space<hbm>>)
      tpu.yield
    }) : () -> ()
    return
  }
}

#map = affine_map<(d0, d1) -> (0, 0)>
#map1 = affine_map<(d0, d1) -> (0)>
#map2 = affine_map<(d0, d1) -> (0, 0, 0)>
module attributes {stable_mosaic.version = 14 : i64} {
  func.func @_sc_agg(%arg0: i32, %arg1: i32, %arg2: memref<10000x128xf32, #tpu.memory_space<hbm>>, %arg3: memref<323584xi32, #tpu.memory_space<hbm>>, %arg4: memref<323584xi32, #tpu.memory_space<hbm>>, %arg5: memref<10112x128xf32, #tpu.memory_space<hbm>>, %arg6: memref<2x10112x128xf32, #tpu.memory_space<hbm>>, %arg7: memref<128xi32, #tpu.memory_space<vmem>>, %arg8: memref<128xi32, #tpu.memory_space<vmem>>, %arg9: memref<128x128xf32, #tpu.memory_space<vmem>>, %arg10: memref<10112x128xf32, #tpu.memory_space<vmem_shared>>, %arg11: memref<!tpu.dma_semaphore, #tpu.memory_space<semaphore_mem>>) attributes {dimension_semantics = [#tpu.dimension_semantics<core_parallel>, #tpu.dimension_semantics<subcore_parallel>], iteration_bounds = array<i64: 2, 16>, scalar_prefetch = 0 : i64, scratch_operands = 5 : i64, tpu.core_type = #tpu.core_type<sc_vector_subcore>, window_params = [{transform_indices = #map}, {transform_indices = #map1}, {transform_indices = #map1}, {transform_indices = #map}, {transform_indices = #map2}]} {
    %mul3A = arith.constant 2 : i32
    %mul3A_0 = arith.muli %arg1, %mul3A : i32
    %add3A = arith.addi %mul3A_0, %arg0 : i32
    %mul3A_1 = arith.constant 632 : i32
    %mul3A_2 = arith.muli %arg1, %mul3A_1 : i32
    %mul3A_3 = arith.constant 632 : i32
    %mul3A_4 = arith.muli %arg1, %mul3A_3 : i32
    "tpu.region"() ({
      %run_scoped3A = tpu.sem_alloc : memref<!tpu.dma_semaphore, #tpu.memory_space<semaphore_mem>>
      %dma_start3A = arith.constant 0 : i32
      %dma_start3A_15 = tpu.memref_slice %arg10[%mul3A_4, %dma_start3A] : memref<10112x128xf32, #tpu.memory_space<vmem_shared>> -> memref<632x128xf32, #tpu.memory_space<vmem_shared>>
      %dma_start3A_16 = arith.constant 0 : i32
      %dma_start3A_17 = tpu.memref_slice %arg5[%mul3A_2, %dma_start3A_16] : memref<10112x128xf32, #tpu.memory_space<hbm>> -> memref<632x128xf32, #tpu.memory_space<hbm>>
      tpu.enqueue_dma source(%dma_start3A_17 : memref<632x128xf32, #tpu.memory_space<hbm>>) target(%dma_start3A_15 : memref<632x128xf32, #tpu.memory_space<vmem_shared>>) target_semaphore(%run_scoped3A : memref<!tpu.dma_semaphore, #tpu.memory_space<semaphore_mem>>)
      %dma_wait3A = arith.constant 0 : i32
      %dma_wait3A_18 = tpu.memref_slice %arg10[%mul3A_4, %dma_wait3A] : memref<10112x128xf32, #tpu.memory_space<vmem_shared>> -> memref<632x128xf32, #tpu.memory_space<vmem_shared>>
      %dma_wait3A_19 = arith.constant 0 : i32
      %dma_wait3A_20 = tpu.memref_slice %arg5[%mul3A_2, %dma_wait3A_19] : memref<10112x128xf32, #tpu.memory_space<hbm>> -> memref<632x128xf32, #tpu.memory_space<hbm>>
      tpu.wait_dma2 semaphore(%run_scoped3A : memref<!tpu.dma_semaphore, #tpu.memory_space<semaphore_mem>>) src(%dma_wait3A_20 : memref<632x128xf32, #tpu.memory_space<hbm>>) dst(%dma_wait3A_18 : memref<632x128xf32, #tpu.memory_space<vmem_shared>>)
      tpu.yield
    }) : () -> ()
    %barrier3A = arith.constant 0 : index
    tpu.barrier barrier_id(%barrier3A)
    %scan3A = arith.constant 0 : i32
    %scan3A_5 = arith.constant 0 : i32
    %scan3A_6 = arith.constant 79 : i32
    %scan3A_7 = arith.addi %scan3A_5, %scan3A_6 : i32
    %scan3A_8 = arith.constant 1 : i32
    scf.for %scan3A_15 = %scan3A_5 to %scan3A_7 step %scan3A_8  : i32 {
      %mul3A_16 = arith.constant 79 : i32
      %mul3A_17 = arith.muli %add3A, %mul3A_16 : i32
      %add3A_18 = arith.addi %mul3A_17, %scan3A_15 : i32
      %mul3A_19 = arith.constant 128 : i32
      %mul3A_20 = arith.muli %add3A_18, %mul3A_19 : i32
      "tpu.region"() ({
        %run_scoped3A = tpu.sem_alloc : memref<!tpu.dma_semaphore, #tpu.memory_space<semaphore_mem>>
        %dma_start3A_25 = tpu.memref_slice %arg3[%mul3A_20] : memref<323584xi32, #tpu.memory_space<hbm>> -> memref<128xi32, #tpu.memory_space<hbm>>
        %dma_start3A_26 = tpu.memref_slice %arg3[%mul3A_20] : memref<323584xi32, #tpu.memory_space<hbm>> -> memref<128xi32, #tpu.memory_space<hbm>>
        tpu.enqueue_dma source(%dma_start3A_26 : memref<128xi32, #tpu.memory_space<hbm>>) target(%arg7 : memref<128xi32, #tpu.memory_space<vmem>>) target_semaphore(%run_scoped3A : memref<!tpu.dma_semaphore, #tpu.memory_space<semaphore_mem>>)
        %dma_wait3A_27 = tpu.memref_slice %arg3[%mul3A_20] : memref<323584xi32, #tpu.memory_space<hbm>> -> memref<128xi32, #tpu.memory_space<hbm>>
        %dma_wait3A_28 = tpu.memref_slice %arg3[%mul3A_20] : memref<323584xi32, #tpu.memory_space<hbm>> -> memref<128xi32, #tpu.memory_space<hbm>>
        tpu.wait_dma2 semaphore(%run_scoped3A : memref<!tpu.dma_semaphore, #tpu.memory_space<semaphore_mem>>) src(%dma_wait3A_28 : memref<128xi32, #tpu.memory_space<hbm>>) dst(%arg7 : memref<128xi32, #tpu.memory_space<vmem>>)
        tpu.yield
      }) : () -> ()
      "tpu.region"() ({
        %run_scoped3A = tpu.sem_alloc : memref<!tpu.dma_semaphore, #tpu.memory_space<semaphore_mem>>
        %dma_start3A_25 = tpu.memref_slice %arg4[%mul3A_20] : memref<323584xi32, #tpu.memory_space<hbm>> -> memref<128xi32, #tpu.memory_space<hbm>>
        %dma_start3A_26 = tpu.memref_slice %arg4[%mul3A_20] : memref<323584xi32, #tpu.memory_space<hbm>> -> memref<128xi32, #tpu.memory_space<hbm>>
        tpu.enqueue_dma source(%dma_start3A_26 : memref<128xi32, #tpu.memory_space<hbm>>) target(%arg8 : memref<128xi32, #tpu.memory_space<vmem>>) target_semaphore(%run_scoped3A : memref<!tpu.dma_semaphore, #tpu.memory_space<semaphore_mem>>)
        %dma_wait3A_27 = tpu.memref_slice %arg4[%mul3A_20] : memref<323584xi32, #tpu.memory_space<hbm>> -> memref<128xi32, #tpu.memory_space<hbm>>
        %dma_wait3A_28 = tpu.memref_slice %arg4[%mul3A_20] : memref<323584xi32, #tpu.memory_space<hbm>> -> memref<128xi32, #tpu.memory_space<hbm>>
        tpu.wait_dma2 semaphore(%run_scoped3A : memref<!tpu.dma_semaphore, #tpu.memory_space<semaphore_mem>>) src(%dma_wait3A_28 : memref<128xi32, #tpu.memory_space<hbm>>) dst(%arg8 : memref<128xi32, #tpu.memory_space<vmem>>)
        tpu.yield
      }) : () -> ()
      %dma_start3A = arith.constant 0 : i32
      %dma_start3A_21 = arith.constant 0 : i32
      %dma_start3A_22 = tpu.memref_slice %arg2[%dma_start3A, %dma_start3A_21] : memref<10000x128xf32, #tpu.memory_space<hbm>> -> memref<10000x128xf32, #tpu.memory_space<hbm>>
      tpu.enqueue_indirect_dma source(%dma_start3A_22 : memref<10000x128xf32, #tpu.memory_space<hbm>>) target(%arg9 : memref<128x128xf32, #tpu.memory_space<vmem>>) offsets(%arg7 : memref<128xi32, #tpu.memory_space<vmem>>) semaphore(%arg11 : memref<!tpu.dma_semaphore, #tpu.memory_space<semaphore_mem>>)
      %dma_wait3A = arith.constant 0 : i32
      %dma_wait3A_23 = arith.constant 0 : i32
      %dma_wait3A_24 = tpu.memref_slice %arg2[%dma_wait3A, %dma_wait3A_23] : memref<10000x128xf32, #tpu.memory_space<hbm>> -> memref<10000x128xf32, #tpu.memory_space<hbm>>
      tpu.wait_indirect_dma semaphore(%arg11 : memref<!tpu.dma_semaphore, #tpu.memory_space<semaphore_mem>>) src(%dma_wait3A_24 : memref<10000x128xf32, #tpu.memory_space<hbm>>) dst(%arg9 : memref<128x128xf32, #tpu.memory_space<vmem>>)
      "tpu.region"() ({
        %run_scoped3A = tpu.sem_alloc : memref<!tpu.dma_semaphore, #tpu.memory_space<semaphore_mem>>
        %dma_start3A_25 = arith.constant 0 : i32
        %dma_start3A_26 = arith.constant 0 : i32
        %dma_start3A_27 = tpu.memref_slice %arg10[%dma_start3A_25, %dma_start3A_26] : memref<10112x128xf32, #tpu.memory_space<vmem_shared>> -> memref<10112x128xf32, #tpu.memory_space<vmem_shared>>
        tpu.enqueue_indirect_dma source(%arg9 : memref<128x128xf32, #tpu.memory_space<vmem>>) target(%dma_start3A_27 : memref<10112x128xf32, #tpu.memory_space<vmem_shared>>) offsets(%arg8 : memref<128xi32, #tpu.memory_space<vmem>>) semaphore(%run_scoped3A : memref<!tpu.dma_semaphore, #tpu.memory_space<semaphore_mem>>) {add = true}
        %dma_wait3A_28 = arith.constant 0 : i32
        %dma_wait3A_29 = arith.constant 0 : i32
        %dma_wait3A_30 = tpu.memref_slice %arg10[%dma_wait3A_28, %dma_wait3A_29] : memref<10112x128xf32, #tpu.memory_space<vmem_shared>> -> memref<10112x128xf32, #tpu.memory_space<vmem_shared>>
        tpu.wait_indirect_dma semaphore(%run_scoped3A : memref<!tpu.dma_semaphore, #tpu.memory_space<semaphore_mem>>) src(%arg9 : memref<128x128xf32, #tpu.memory_space<vmem>>) dst(%dma_wait3A_30 : memref<10112x128xf32, #tpu.memory_space<vmem_shared>>)
        tpu.yield
      }) : () -> ()
    }
    %scan3A_9 = arith.constant 79 : i32
    %barrier3A_10 = arith.constant 0 : index
    tpu.barrier barrier_id(%barrier3A_10)
    %mul3A_11 = arith.constant 632 : i32
    %mul3A_12 = arith.muli %arg1, %mul3A_11 : i32
    %mul3A_13 = arith.constant 632 : i32
    %mul3A_14 = arith.muli %arg1, %mul3A_13 : i32
    "tpu.region"() ({
      %run_scoped3A = tpu.sem_alloc : memref<!tpu.dma_semaphore, #tpu.memory_space<semaphore_mem>>
      %dma_start3A = arith.constant 0 : i32
      %dma_start3A_15 = tpu.memref_slice %arg6[%arg0, %mul3A_14, %dma_start3A] : memref<2x10112x128xf32, #tpu.memory_space<hbm>> -> memref<1x632x128xf32, #tpu.memory_space<hbm>>
      %dma_start3A_16 = tpu.memref_squeeze %dma_start3A_15 : memref<1x632x128xf32, #tpu.memory_space<hbm>> -> memref<632x128xf32, #tpu.memory_space<hbm>>
      %dma_start3A_17 = arith.constant 0 : i32
      %dma_start3A_18 = tpu.memref_slice %arg10[%mul3A_12, %dma_start3A_17] : memref<10112x128xf32, #tpu.memory_space<vmem_shared>> -> memref<632x128xf32, #tpu.memory_space<vmem_shared>>
      tpu.enqueue_dma source(%dma_start3A_18 : memref<632x128xf32, #tpu.memory_space<vmem_shared>>) target(%dma_start3A_16 : memref<632x128xf32, #tpu.memory_space<hbm>>) target_semaphore(%run_scoped3A : memref<!tpu.dma_semaphore, #tpu.memory_space<semaphore_mem>>)
      %dma_wait3A = arith.constant 0 : i32
      %dma_wait3A_19 = tpu.memref_slice %arg6[%arg0, %mul3A_14, %dma_wait3A] : memref<2x10112x128xf32, #tpu.memory_space<hbm>> -> memref<1x632x128xf32, #tpu.memory_space<hbm>>
      %dma_wait3A_20 = tpu.memref_squeeze %dma_wait3A_19 : memref<1x632x128xf32, #tpu.memory_space<hbm>> -> memref<632x128xf32, #tpu.memory_space<hbm>>
      %dma_wait3A_21 = arith.constant 0 : i32
      %dma_wait3A_22 = tpu.memref_slice %arg10[%mul3A_12, %dma_wait3A_21] : memref<10112x128xf32, #tpu.memory_space<vmem_shared>> -> memref<632x128xf32, #tpu.memory_space<vmem_shared>>
      tpu.wait_dma2 semaphore(%run_scoped3A : memref<!tpu.dma_semaphore, #tpu.memory_space<semaphore_mem>>) src(%dma_wait3A_22 : memref<632x128xf32, #tpu.memory_space<vmem_shared>>) dst(%dma_wait3A_20 : memref<632x128xf32, #tpu.memory_space<hbm>>)
      tpu.yield
    }) : () -> ()
    return
  }
}

#map = affine_map<(d0, d1) -> (0, 0)>
#map1 = affine_map<(d0, d1) -> (0)>
#map2 = affine_map<(d0, d1) -> (0, 0, 0)>
module attributes {stable_mosaic.version = 14 : i64} {
  func.func @_sc_pool(%arg0: i32, %arg1: i32, %arg2: memref<10240x128xf32, #tpu.memory_space<hbm>>, %arg3: memref<10240xi32, #tpu.memory_space<hbm>>, %arg4: memref<10112x128xf32, #tpu.memory_space<hbm>>, %arg5: memref<2x256x128xf32, #tpu.memory_space<hbm>>, %arg6: memref<64xi32, #tpu.memory_space<vmem>>, %arg7: memref<64x128xf32, #tpu.memory_space<vmem>>, %arg8: memref<256x128xf32, #tpu.memory_space<vmem_shared>>) attributes {dimension_semantics = [#tpu.dimension_semantics<core_parallel>, #tpu.dimension_semantics<subcore_parallel>], iteration_bounds = array<i64: 2, 16>, scalar_prefetch = 0 : i64, scratch_operands = 3 : i64, tpu.core_type = #tpu.core_type<sc_vector_subcore>, window_params = [{transform_indices = #map}, {transform_indices = #map1}, {transform_indices = #map}, {transform_indices = #map2}]} {
    %mul3A = arith.constant 2 : i32
    %mul3A_0 = arith.muli %arg1, %mul3A : i32
    %add3A = arith.addi %mul3A_0, %arg0 : i32
    %mul3A_1 = arith.constant 16 : i32
    %mul3A_2 = arith.muli %arg1, %mul3A_1 : i32
    %mul3A_3 = arith.constant 16 : i32
    %mul3A_4 = arith.muli %arg1, %mul3A_3 : i32
    "tpu.region"() ({
      %run_scoped3A = tpu.sem_alloc : memref<!tpu.dma_semaphore, #tpu.memory_space<semaphore_mem>>
      %dma_start3A = arith.constant 0 : i32
      %dma_start3A_15 = tpu.memref_slice %arg8[%mul3A_4, %dma_start3A] : memref<256x128xf32, #tpu.memory_space<vmem_shared>> -> memref<16x128xf32, #tpu.memory_space<vmem_shared>>
      %dma_start3A_16 = arith.constant 0 : i32
      %dma_start3A_17 = tpu.memref_slice %arg4[%mul3A_2, %dma_start3A_16] : memref<10112x128xf32, #tpu.memory_space<hbm>> -> memref<16x128xf32, #tpu.memory_space<hbm>>
      tpu.enqueue_dma source(%dma_start3A_17 : memref<16x128xf32, #tpu.memory_space<hbm>>) target(%dma_start3A_15 : memref<16x128xf32, #tpu.memory_space<vmem_shared>>) target_semaphore(%run_scoped3A : memref<!tpu.dma_semaphore, #tpu.memory_space<semaphore_mem>>)
      %dma_wait3A = arith.constant 0 : i32
      %dma_wait3A_18 = tpu.memref_slice %arg8[%mul3A_4, %dma_wait3A] : memref<256x128xf32, #tpu.memory_space<vmem_shared>> -> memref<16x128xf32, #tpu.memory_space<vmem_shared>>
      %dma_wait3A_19 = arith.constant 0 : i32
      %dma_wait3A_20 = tpu.memref_slice %arg4[%mul3A_2, %dma_wait3A_19] : memref<10112x128xf32, #tpu.memory_space<hbm>> -> memref<16x128xf32, #tpu.memory_space<hbm>>
      tpu.wait_dma2 semaphore(%run_scoped3A : memref<!tpu.dma_semaphore, #tpu.memory_space<semaphore_mem>>) src(%dma_wait3A_20 : memref<16x128xf32, #tpu.memory_space<hbm>>) dst(%dma_wait3A_18 : memref<16x128xf32, #tpu.memory_space<vmem_shared>>)
      tpu.yield
    }) : () -> ()
    %barrier3A = arith.constant 0 : index
    tpu.barrier barrier_id(%barrier3A)
    %scan3A = arith.constant 0 : i32
    %scan3A_5 = arith.constant 0 : i32
    %scan3A_6 = arith.constant 5 : i32
    %scan3A_7 = arith.addi %scan3A_5, %scan3A_6 : i32
    %scan3A_8 = arith.constant 1 : i32
    scf.for %scan3A_15 = %scan3A_5 to %scan3A_7 step %scan3A_8  : i32 {
      %mul3A_16 = arith.constant 320 : i32
      %mul3A_17 = arith.muli %add3A, %mul3A_16 : i32
      %mul3A_18 = arith.constant 64 : i32
      %mul3A_19 = arith.muli %scan3A_15, %mul3A_18 : i32
      %add3A_20 = arith.addi %mul3A_17, %mul3A_19 : i32
      "tpu.region"() ({
        %run_scoped3A = tpu.sem_alloc : memref<!tpu.dma_semaphore, #tpu.memory_space<semaphore_mem>>
        %dma_start3A = tpu.memref_slice %arg3[%add3A_20] : memref<10240xi32, #tpu.memory_space<hbm>> -> memref<64xi32, #tpu.memory_space<hbm>>
        %dma_start3A_21 = tpu.memref_slice %arg3[%add3A_20] : memref<10240xi32, #tpu.memory_space<hbm>> -> memref<64xi32, #tpu.memory_space<hbm>>
        tpu.enqueue_dma source(%dma_start3A_21 : memref<64xi32, #tpu.memory_space<hbm>>) target(%arg6 : memref<64xi32, #tpu.memory_space<vmem>>) target_semaphore(%run_scoped3A : memref<!tpu.dma_semaphore, #tpu.memory_space<semaphore_mem>>)
        %dma_wait3A = tpu.memref_slice %arg3[%add3A_20] : memref<10240xi32, #tpu.memory_space<hbm>> -> memref<64xi32, #tpu.memory_space<hbm>>
        %dma_wait3A_22 = tpu.memref_slice %arg3[%add3A_20] : memref<10240xi32, #tpu.memory_space<hbm>> -> memref<64xi32, #tpu.memory_space<hbm>>
        tpu.wait_dma2 semaphore(%run_scoped3A : memref<!tpu.dma_semaphore, #tpu.memory_space<semaphore_mem>>) src(%dma_wait3A_22 : memref<64xi32, #tpu.memory_space<hbm>>) dst(%arg6 : memref<64xi32, #tpu.memory_space<vmem>>)
        tpu.yield
      }) : () -> ()
      "tpu.region"() ({
        %run_scoped3A = tpu.sem_alloc : memref<!tpu.dma_semaphore, #tpu.memory_space<semaphore_mem>>
        %dma_start3A = arith.constant 0 : i32
        %dma_start3A_21 = tpu.memref_slice %arg2[%add3A_20, %dma_start3A] : memref<10240x128xf32, #tpu.memory_space<hbm>> -> memref<64x128xf32, #tpu.memory_space<hbm>>
        %dma_start3A_22 = arith.constant 0 : i32
        %dma_start3A_23 = tpu.memref_slice %arg2[%add3A_20, %dma_start3A_22] : memref<10240x128xf32, #tpu.memory_space<hbm>> -> memref<64x128xf32, #tpu.memory_space<hbm>>
        tpu.enqueue_dma source(%dma_start3A_23 : memref<64x128xf32, #tpu.memory_space<hbm>>) target(%arg7 : memref<64x128xf32, #tpu.memory_space<vmem>>) target_semaphore(%run_scoped3A : memref<!tpu.dma_semaphore, #tpu.memory_space<semaphore_mem>>)
        %dma_wait3A = arith.constant 0 : i32
        %dma_wait3A_24 = tpu.memref_slice %arg2[%add3A_20, %dma_wait3A] : memref<10240x128xf32, #tpu.memory_space<hbm>> -> memref<64x128xf32, #tpu.memory_space<hbm>>
        %dma_wait3A_25 = arith.constant 0 : i32
        %dma_wait3A_26 = tpu.memref_slice %arg2[%add3A_20, %dma_wait3A_25] : memref<10240x128xf32, #tpu.memory_space<hbm>> -> memref<64x128xf32, #tpu.memory_space<hbm>>
        tpu.wait_dma2 semaphore(%run_scoped3A : memref<!tpu.dma_semaphore, #tpu.memory_space<semaphore_mem>>) src(%dma_wait3A_26 : memref<64x128xf32, #tpu.memory_space<hbm>>) dst(%arg7 : memref<64x128xf32, #tpu.memory_space<vmem>>)
        tpu.yield
      }) : () -> ()
      "tpu.region"() ({
        %run_scoped3A = tpu.sem_alloc : memref<!tpu.dma_semaphore, #tpu.memory_space<semaphore_mem>>
        %dma_start3A = arith.constant 0 : i32
        %dma_start3A_21 = arith.constant 0 : i32
        %dma_start3A_22 = tpu.memref_slice %arg8[%dma_start3A, %dma_start3A_21] : memref<256x128xf32, #tpu.memory_space<vmem_shared>> -> memref<256x128xf32, #tpu.memory_space<vmem_shared>>
        tpu.enqueue_indirect_dma source(%arg7 : memref<64x128xf32, #tpu.memory_space<vmem>>) target(%dma_start3A_22 : memref<256x128xf32, #tpu.memory_space<vmem_shared>>) offsets(%arg6 : memref<64xi32, #tpu.memory_space<vmem>>) semaphore(%run_scoped3A : memref<!tpu.dma_semaphore, #tpu.memory_space<semaphore_mem>>) {add = true}
        %dma_wait3A = arith.constant 0 : i32
        %dma_wait3A_23 = arith.constant 0 : i32
        %dma_wait3A_24 = tpu.memref_slice %arg8[%dma_wait3A, %dma_wait3A_23] : memref<256x128xf32, #tpu.memory_space<vmem_shared>> -> memref<256x128xf32, #tpu.memory_space<vmem_shared>>
        tpu.wait_indirect_dma semaphore(%run_scoped3A : memref<!tpu.dma_semaphore, #tpu.memory_space<semaphore_mem>>) src(%arg7 : memref<64x128xf32, #tpu.memory_space<vmem>>) dst(%dma_wait3A_24 : memref<256x128xf32, #tpu.memory_space<vmem_shared>>)
        tpu.yield
      }) : () -> ()
    }
    %scan3A_9 = arith.constant 5 : i32
    %barrier3A_10 = arith.constant 0 : index
    tpu.barrier barrier_id(%barrier3A_10)
    %mul3A_11 = arith.constant 16 : i32
    %mul3A_12 = arith.muli %arg1, %mul3A_11 : i32
    %mul3A_13 = arith.constant 16 : i32
    %mul3A_14 = arith.muli %arg1, %mul3A_13 : i32
    "tpu.region"() ({
      %run_scoped3A = tpu.sem_alloc : memref<!tpu.dma_semaphore, #tpu.memory_space<semaphore_mem>>
      %dma_start3A = arith.constant 0 : i32
      %dma_start3A_15 = tpu.memref_slice %arg5[%arg0, %mul3A_14, %dma_start3A] : memref<2x256x128xf32, #tpu.memory_space<hbm>> -> memref<1x16x128xf32, #tpu.memory_space<hbm>>
      %dma_start3A_16 = tpu.memref_squeeze %dma_start3A_15 : memref<1x16x128xf32, #tpu.memory_space<hbm>> -> memref<16x128xf32, #tpu.memory_space<hbm>>
      %dma_start3A_17 = arith.constant 0 : i32
      %dma_start3A_18 = tpu.memref_slice %arg8[%mul3A_12, %dma_start3A_17] : memref<256x128xf32, #tpu.memory_space<vmem_shared>> -> memref<16x128xf32, #tpu.memory_space<vmem_shared>>
      tpu.enqueue_dma source(%dma_start3A_18 : memref<16x128xf32, #tpu.memory_space<vmem_shared>>) target(%dma_start3A_16 : memref<16x128xf32, #tpu.memory_space<hbm>>) target_semaphore(%run_scoped3A : memref<!tpu.dma_semaphore, #tpu.memory_space<semaphore_mem>>)
      %dma_wait3A = arith.constant 0 : i32
      %dma_wait3A_19 = tpu.memref_slice %arg5[%arg0, %mul3A_14, %dma_wait3A] : memref<2x256x128xf32, #tpu.memory_space<hbm>> -> memref<1x16x128xf32, #tpu.memory_space<hbm>>
      %dma_wait3A_20 = tpu.memref_squeeze %dma_wait3A_19 : memref<1x16x128xf32, #tpu.memory_space<hbm>> -> memref<16x128xf32, #tpu.memory_space<hbm>>
      %dma_wait3A_21 = arith.constant 0 : i32
      %dma_wait3A_22 = tpu.memref_slice %arg8[%mul3A_12, %dma_wait3A_21] : memref<256x128xf32, #tpu.memory_space<vmem_shared>> -> memref<16x128xf32, #tpu.memory_space<vmem_shared>>
      tpu.wait_dma2 semaphore(%run_scoped3A : memref<!tpu.dma_semaphore, #tpu.memory_space<semaphore_mem>>) src(%dma_wait3A_22 : memref<16x128xf32, #tpu.memory_space<vmem_shared>>) dst(%dma_wait3A_20 : memref<16x128xf32, #tpu.memory_space<hbm>>)
      tpu.yield
    }) : () -> ()
    return
  }
}

module attributes {stable_mosaic.version = 14 : i64} {
  func.func @_tc_layer_body(%arg0: i32, %arg1: memref<2x1000x128xf32, #tpu.memory_space<vmem>>, %arg2: memref<2x1000x128xf32, #tpu.memory_space<vmem>>, %arg3: memref<1000x128xf32, #tpu.memory_space<vmem>>, %arg4: memref<128x128xf32, #tpu.memory_space<vmem>>, %arg5: memref<1x128xf32, #tpu.memory_space<vmem>>, %arg6: memref<128x128xf32, #tpu.memory_space<vmem>>, %arg7: memref<1000x128xf32, #tpu.memory_space<vmem>>) attributes {dimension_semantics = [#tpu.dimension_semantics<arbitrary>], iteration_bounds = array<i64: 10>, scalar_prefetch = 0 : i64, scratch_operands = 0 : i64, tpu.core_type = #tpu.core_type<tc>, window_params = [{transform_indices = @transform_0, window_bounds = array<i64: 2, 1000, 128>}, {transform_indices = @transform_1, window_bounds = array<i64: 2, 1000, 128>}, {transform_indices = @transform_2, window_bounds = array<i64: 1000, 128>}, {pipeline_mode = #tpu.pipeline_mode<synchronous>, transform_indices = @transform_3, window_bounds = array<i64: 128, 128>}, {pipeline_mode = #tpu.pipeline_mode<synchronous>, transform_indices = @transform_4, window_bounds = array<i64: 1, 128>}, {pipeline_mode = #tpu.pipeline_mode<synchronous>, transform_indices = @transform_5, window_bounds = array<i64: 128, 128>}, {transform_indices = @transform_6, window_bounds = array<i64: 1000, 128>}]} {
    %get3A = arith.constant 0 : index
    %get3A_0 = arith.constant 0 : index
    %get3A_1 = arith.constant 0 : index
    %get3A_2 = vector.load %arg2[%get3A, %get3A_0, %get3A_1] : memref<2x1000x128xf32, #tpu.memory_space<vmem>>, vector<1x1000x1xf32>
    %get3A_3 = vector.shape_cast %get3A_2 : vector<1x1000x1xf32> to vector<1000x1xf32>
    %get3A_4 = arith.constant 1 : index
    %get3A_5 = arith.constant 0 : index
    %get3A_6 = arith.constant 0 : index
    %get3A_7 = vector.load %arg2[%get3A_4, %get3A_5, %get3A_6] : memref<2x1000x128xf32, #tpu.memory_space<vmem>>, vector<1x1000x1xf32>
    %get3A_8 = vector.shape_cast %get3A_7 : vector<1x1000x1xf32> to vector<1000x1xf32>
    %add3A = arith.addf %get3A_3, %get3A_8 : vector<1000x1xf32>
    %max3A = arith.constant 1.000000e+00 : f32
    %max3A_9 = vector.broadcast %max3A : f32 to vector<1000x1xf32>
    %max3A_10 = arith.maximumf %add3A, %max3A_9 : vector<1000x1xf32>
    %get3A_11 = arith.constant 0 : index
    %get3A_12 = arith.constant 0 : index
    %get3A_13 = arith.constant 0 : index
    %get3A_14 = vector.load %arg1[%get3A_11, %get3A_12, %get3A_13] : memref<2x1000x128xf32, #tpu.memory_space<vmem>>, vector<1x1000x128xf32>
    %get3A_15 = vector.shape_cast %get3A_14 : vector<1x1000x128xf32> to vector<1000x128xf32>
    %get3A_16 = arith.constant 1 : index
    %get3A_17 = arith.constant 0 : index
    %get3A_18 = arith.constant 0 : index
    %get3A_19 = vector.load %arg1[%get3A_16, %get3A_17, %get3A_18] : memref<2x1000x128xf32, #tpu.memory_space<vmem>>, vector<1x1000x128xf32>
    %get3A_20 = vector.shape_cast %get3A_19 : vector<1x1000x128xf32> to vector<1000x128xf32>
    %add3A_21 = arith.addf %get3A_15, %get3A_20 : vector<1000x128xf32>
    %div3A = vector.broadcast %max3A_10 : vector<1000x1xf32> to vector<1000x128xf32>
    %div3A_22 = arith.divf %add3A_21, %div3A : vector<1000x128xf32>
    %get3A_23 = arith.constant 0 : index
    %get3A_24 = arith.constant 0 : index
    %get3A_25 = vector.load %arg4[%get3A_23, %get3A_24] : memref<128x128xf32, #tpu.memory_space<vmem>>, vector<128x128xf32>
    %dot_general3A = arith.constant dense<0.000000e+00> : vector<1000x128xf32>
    %dot_general3A_26 = tpu.matmul %div3A_22, %get3A_25, %dot_general3A {dimension_numbers = #tpu.dot_dimension_numbers<[1], [1], [0], [0], [0, 0, 1, 0], [], []>, transpose_lhs_hint = false} : vector<1000x128xf32>, vector<128x128xf32>, vector<1000x128xf32> -> vector<1000x128xf32>
    %get3A_27 = arith.constant 0 : index
    %get3A_28 = arith.constant 0 : index
    %get3A_29 = vector.load %arg3[%get3A_27, %get3A_28] : memref<1000x128xf32, #tpu.memory_space<vmem>>, vector<1000x128xf32>
    %get3A_30 = arith.constant 0 : index
    %get3A_31 = arith.constant 0 : index
    %get3A_32 = vector.load %arg6[%get3A_30, %get3A_31] : memref<128x128xf32, #tpu.memory_space<vmem>>, vector<128x128xf32>
    %dot_general3A_33 = arith.constant dense<0.000000e+00> : vector<1000x128xf32>
    %dot_general3A_34 = tpu.matmul %get3A_29, %get3A_32, %dot_general3A_33 {dimension_numbers = #tpu.dot_dimension_numbers<[1], [1], [0], [0], [0, 0, 1, 0], [], []>, transpose_lhs_hint = false} : vector<1000x128xf32>, vector<128x128xf32>, vector<1000x128xf32> -> vector<1000x128xf32>
    %add3A_35 = arith.addf %dot_general3A_26, %dot_general3A_34 : vector<1000x128xf32>
    %get3A_36 = arith.constant 0 : index
    %get3A_37 = arith.constant 0 : index
    %get3A_38 = vector.load %arg5[%get3A_36, %get3A_37] : memref<1x128xf32, #tpu.memory_space<vmem>>, vector<1x128xf32>
    %add3A_39 = vector.broadcast %get3A_38 : vector<1x128xf32> to vector<1000x128xf32>
    %add3A_40 = arith.addf %add3A_35, %add3A_39 : vector<1000x128xf32>
    %max3A_41 = arith.constant 0.000000e+00 : f32
    %max3A_42 = vector.broadcast %max3A_41 : f32 to vector<1000x128xf32>
    %max3A_43 = arith.maximumf %add3A_40, %max3A_42 : vector<1000x128xf32>
    %swap3A = arith.constant 0 : index
    %swap3A_44 = arith.constant 0 : index
    %swap3A_45 = vector.load %arg7[%swap3A, %swap3A_44] : memref<1000x128xf32, #tpu.memory_space<vmem>>, vector<1000x128xf32>
    tpu.vector_store %arg7[%swap3A, %swap3A_44], %max3A_43 {strides = array<i32>} : memref<1000x128xf32, #tpu.memory_space<vmem>>, vector<1000x128xf32>,
    return
  }
  func.func @transform_0(%arg0: i32) -> (i32, i32, i32) {
    %c0_i32 = arith.constant 0 : i32
    %c0_i32_0 = arith.constant 0 : i32
    %c0_i32_1 = arith.constant 0 : i32
    return %c0_i32, %arg0, %c0_i32_0 : i32, i32, i32
  }
  func.func @transform_1(%arg0: i32) -> (i32, i32, i32) {
    %c0_i32 = arith.constant 0 : i32
    %c0_i32_0 = arith.constant 0 : i32
    %c0_i32_1 = arith.constant 0 : i32
    return %c0_i32, %arg0, %c0_i32_0 : i32, i32, i32
  }
  func.func @transform_2(%arg0: i32) -> (i32, i32) {
    %c0_i32 = arith.constant 0 : i32
    %c0_i32_0 = arith.constant 0 : i32
    return %arg0, %c0_i32 : i32, i32
  }
  func.func @transform_3(%arg0: i32) -> (i32, i32) {
    %c0_i32 = arith.constant 0 : i32
    %c0_i32_0 = arith.constant 0 : i32
    %c0_i32_1 = arith.constant 0 : i32
    return %c0_i32, %c0_i32_0 : i32, i32
  }
  func.func @transform_4(%arg0: i32) -> (i32, i32) {
    %c0_i32 = arith.constant 0 : i32
    %c0_i32_0 = arith.constant 0 : i32
    %c0_i32_1 = arith.constant 0 : i32
    return %c0_i32, %c0_i32_0 : i32, i32
  }
  func.func @transform_5(%arg0: i32) -> (i32, i32) {
    %c0_i32 = arith.constant 0 : i32
    %c0_i32_0 = arith.constant 0 : i32
    %c0_i32_1 = arith.constant 0 : i32
    return %c0_i32, %c0_i32_0 : i32, i32
  }
  func.func @transform_6(%arg0: i32) -> (i32, i32) {
    %c0_i32 = arith.constant 0 : i32
    %c0_i32_0 = arith.constant 0 : i32
    return %arg0, %c0_i32 : i32, i32
  }
}

module attributes {stable_mosaic.version = 14 : i64} {
  func.func @_tc_head_body(%arg0: memref<2x256x128xf32, #tpu.memory_space<vmem>>, %arg1: memref<128x128xf32, #tpu.memory_space<vmem>>, %arg2: memref<1x128xf32, #tpu.memory_space<vmem>>, %arg3: memref<10x128xf32, #tpu.memory_space<vmem>>, %arg4: memref<1x10xf32, #tpu.memory_space<vmem>>, %arg5: memref<128x10xf32, #tpu.memory_space<vmem>>) attributes {dimension_semantics = [], scalar_prefetch = 0 : i64, scratch_operands = 0 : i64, tpu.core_type = #tpu.core_type<tc>} {
    %get3A = arith.constant 0 : index
    %get3A_0 = arith.constant 0 : index
    %get3A_1 = arith.constant 0 : index
    %get3A_2 = vector.load %arg0[%get3A, %get3A_0, %get3A_1] : memref<2x256x128xf32, #tpu.memory_space<vmem>>, vector<1x128x128xf32>
    %get3A_3 = vector.shape_cast %get3A_2 : vector<1x128x128xf32> to vector<128x128xf32>
    %get3A_4 = arith.constant 1 : index
    %get3A_5 = arith.constant 0 : index
    %get3A_6 = arith.constant 0 : index
    %get3A_7 = vector.load %arg0[%get3A_4, %get3A_5, %get3A_6] : memref<2x256x128xf32, #tpu.memory_space<vmem>>, vector<1x128x128xf32>
    %get3A_8 = vector.shape_cast %get3A_7 : vector<1x128x128xf32> to vector<128x128xf32>
    %add3A = arith.addf %get3A_3, %get3A_8 : vector<128x128xf32>
    %max3A = arith.constant 0.000000e+00 : f32
    %max3A_9 = vector.broadcast %max3A : f32 to vector<128x128xf32>
    %max3A_10 = arith.maximumf %add3A, %max3A_9 : vector<128x128xf32>
    %get3A_11 = arith.constant 0 : index
    %get3A_12 = arith.constant 0 : index
    %get3A_13 = vector.load %arg1[%get3A_11, %get3A_12] : memref<128x128xf32, #tpu.memory_space<vmem>>, vector<128x128xf32>
    %dot_general3A = arith.constant dense<0.000000e+00> : vector<128x128xf32>
    %dot_general3A_14 = tpu.matmul %max3A_10, %get3A_13, %dot_general3A {dimension_numbers = #tpu.dot_dimension_numbers<[1], [1], [0], [0], [0, 0, 1, 0], [], []>, transpose_lhs_hint = false} : vector<128x128xf32>, vector<128x128xf32>, vector<128x128xf32> -> vector<128x128xf32>
    %get3A_15 = arith.constant 0 : index
    %get3A_16 = arith.constant 0 : index
    %get3A_17 = vector.load %arg2[%get3A_15, %get3A_16] : memref<1x128xf32, #tpu.memory_space<vmem>>, vector<1x128xf32>
    %add3A_18 = vector.broadcast %get3A_17 : vector<1x128xf32> to vector<128x128xf32>
    %add3A_19 = arith.addf %dot_general3A_14, %add3A_18 : vector<128x128xf32>
    %max3A_20 = arith.constant 0.000000e+00 : f32
    %max3A_21 = vector.broadcast %max3A_20 : f32 to vector<128x128xf32>
    %max3A_22 = arith.maximumf %add3A_19, %max3A_21 : vector<128x128xf32>
    %get3A_23 = arith.constant 0 : index
    %get3A_24 = arith.constant 0 : index
    %get3A_25 = vector.load %arg3[%get3A_23, %get3A_24] : memref<10x128xf32, #tpu.memory_space<vmem>>, vector<10x128xf32>
    %dot_general3A_26 = arith.constant dense<0.000000e+00> : vector<128x10xf32>
    %dot_general3A_27 = tpu.matmul %max3A_22, %get3A_25, %dot_general3A_26 {dimension_numbers = #tpu.dot_dimension_numbers<[1], [1], [0], [0], [0, 0, 1, 0], [], []>, transpose_lhs_hint = false} : vector<128x128xf32>, vector<10x128xf32>, vector<128x10xf32> -> vector<128x10xf32>
    %get3A_28 = arith.constant 0 : index
    %get3A_29 = arith.constant 0 : index
    %get3A_30 = vector.load %arg4[%get3A_28, %get3A_29] : memref<1x10xf32, #tpu.memory_space<vmem>>, vector<1x10xf32>
    %add3A_31 = vector.broadcast %get3A_30 : vector<1x10xf32> to vector<128x10xf32>
    %add3A_32 = arith.addf %dot_general3A_27, %add3A_31 : vector<128x10xf32>
    %reduce_max3A = arith.constant dense<0xFF800000> : vector<128xf32>
    %reduce_max3A_33 = vector.multi_reduction <maximumf>, %add3A_32, %reduce_max3A [1] : vector<128x10xf32> to vector<128xf32>
    %broadcast_in_dim3A = vector.shape_cast %reduce_max3A_33 : vector<128xf32> to vector<128x1xf32>
    %sub3A = vector.broadcast %broadcast_in_dim3A : vector<128x1xf32> to vector<128x10xf32>
    %sub3A_34 = arith.subf %add3A_32, %sub3A : vector<128x10xf32>
    %exp3A = math.exp %sub3A_34 : vector<128x10xf32>
    %reduce_sum3A = arith.constant dense<0.000000e+00> : vector<128xf32>
    %reduce_sum3A_35 = vector.multi_reduction <add>, %exp3A, %reduce_sum3A [1] : vector<128x10xf32> to vector<128xf32>
    %broadcast_in_dim3A_36 = vector.shape_cast %reduce_sum3A_35 : vector<128xf32> to vector<128x1xf32>
    %log3A = math.log %broadcast_in_dim3A_36 : vector<128x1xf32>
    %sub3A_37 = vector.broadcast %log3A : vector<128x1xf32> to vector<128x10xf32>
    %sub3A_38 = arith.subf %sub3A_34, %sub3A_37 : vector<128x10xf32>
    %swap3A = arith.constant 0 : index
    %swap3A_39 = arith.constant 0 : index
    %swap3A_40 = vector.load %arg5[%swap3A, %swap3A_39] : memref<128x10xf32, #tpu.memory_space<vmem>>, vector<128x10xf32>
    tpu.vector_store %arg5[%swap3A, %swap3A_39], %sub3A_38 {strides = array<i32>} : memref<128x10xf32, #tpu.memory_space<vmem>>, vector<128x10xf32>,
    return
  }
}

</mosaic_0001>

<sc_bundles>
// kernel: kernel.11.cloned.1.call-start
scs
__scs_entry_jumppad:
0x0: {  	(pc) =	sbr.rel $0x88, $3  }
0x1: {  	(tag) =	ssettag $0x0;
	lr =	simm.s32 $0x1  }
0x2: {  	[smem:$0x3F91] =	sst lr;
	_ =	strace $0xD0000000  }
0x3: {  	_ = 	snop  }
0x4: {  	_ = 	snop  }
0x5: {  	_ = 	snop  }
0x6: {  	_ = 	snop  }
0x7: {  	_ = 	snop  }
__scs_overlays_trampoline_lowered:
0x8: {  	[smem:$0x3FA0] =	sst s0  }
0x9: {  	[smem:$0x3FA1] =	sst s1  }
0xa: {  	[smem:$0x3FA2] =	sst s2  }
0xb: {  	[smem:$0x3FA3] =	sst s3  }
0xc: {  	[smem:$0x3FA4] =	sst s4  }
0xd: {  	[smem:$0x3FA5] =	sst s5  }
0xe: {  	[smem:$0x3FA6] =	sst s6  }
0xf: {  	[smem:$0x3FA7] =	sst s7  }
0x10: {  	[smem:$0x3FA8] =	sst s8  }
0x11: {  	[smem:$0x3FA9] =	sst s9;
	s0 =	simm.s32 @!p0 $0x0  }
0x12: {  	s1 =	sld [smem:$0x3F8F];
	s0 =	simm.s32 @p0 $0x1  }
0x13: {  	[smem:$0x3FAA] =	sst s0;
	s0 =	simm.s32 @!p1 $0x0  }
0x14: {  	s2 =	sld [smem:$0x3F8E];
	s0 =	simm.s32 @p1 $0x1  }
0x15: {  	[smem:$0x3FAB] =	sst s0;
	s0 =	simm.s32 @!p2 $0x0  }
0x16: {  	s3 =	sld [smem:$0x3FDB];
	s0 =	simm.s32 @p2 $0x1  }
0x17: {  	s4 =	simm.s32 $0x1BF5;
	[smem:$0x3FAD] =	sst s0  }
0x18: {  	s0 =	sld [smem:$0x3F90];
	_ =	swait.ge [sflag:s4], $0x0  }
0x19: {  	s7 =	sld [smem:$0x3F91]  }
0x1a: {  	s8 =	sadd.s32 $0xFFFFE003, lr  }
0x1b: {  	s9 =	sadd.s32 $0xFFFFFEF7, lr;
	s5 =	simm.s32 $0xFFFFFFFF;
	p2 =	slt.u32 s8, $0xFFFFF086  }
0x1c: {  	p1 =	slt.u32 s9, $0xF7A;
	s5 =	simm.s32 @!p2 $0x0  }
0x1d: {  	s5 =	simm.s32 @p1 $0x1;
	p0 =	seq.s32 s7, s2  }
0x1e: {  	s7 =	smul.u32 @!p0 $0xF7A, s2;
	p2 =	seq.s32 @!p0 s5, $0x0  }
0x1f: {  	s9 =	smul.u32 $0xF7A, s1;
	s8 =	simm.s32 @!p0 $0x1BF5;
	p2 =	por !p2, p0  }
0x20: {  	[sflag:s8] =	ssyncset.s32 @!p0 $0xFFFFF086;
	s6 =	sadd.s32 @!p0 s3, s7;
	s7 =	simm.s32 @!p0 $0x108  }
0x21: {  	s3 =	sadd.s32 s3, s9;
	s6 =	sadd.s32 @!p0 $0x88, s6;
	s7 =	simm.s32 @p2 $0x1082  }
0x22: {  	[simem:s7], [sflag:s8] =	dma.local @!p0 [hbm:s6], $0xF7A  }
0x23: {  	s9 =	sor.u32 $0xD0000000, s2;
	s6 =	simm.s32 $0x108;
	_ =	swait.ge @!p0 [sflag:s8], $0x0  }
0x24: {  	s3 =	sadd.s32 $0x88, s3;
	s6 =	simm.s32 @!p1 $0x1082;
	[sflag:s4] =	ssyncset.s32 $0xFFFFF086  }
0x25: {  	[simem:s6], [sflag:s4] =	dma.local [hbm:s3], $0xF7A  }
0x26: {  	[smem:$0x3F91] =	sst s1;
	(tag) =	ssettag s2;
	_ =	strace s9  }
0x27: {  	s1 =	sld [smem:$0x3FA1]  }
0x28: {  	s2 =	sld [smem:$0x3FA2]  }
0x29: {  	s4 =	sld [smem:$0x3FA4]  }
0x2a: {  	p0 =	seq.s32 s5, $0x0;
	s5 =	sld [smem:$0x3FA5]  }
0x2b: {  	s6 =	sld [smem:$0x3FA6]  }
0x2c: {  	s7 =	sld [smem:$0x3FA7]  }
0x2d: {  	s3 =	simm.s32 $0x108;
	s8 =	sld [smem:$0x3FA8]  }
0x2e: {  	s3 =	simm.s32 @!p0 $0x1082;
	s9 =	sld [smem:$0x3FA9]  }
0x2f: {  	lr =	sadd.s32 s0, s3;
	s0 =	sld [smem:$0x3FA0]  }
0x30: {  	s3 =	sld [smem:$0x3FA3]  }
0x31: {  	[smem:$0x3FAC] =	sst s10  }
0x32: {  	s10 =	sld [smem:$0x3FAA];
	_ =	sdelay $0x3  }
0x33: {  	p0 =	seq.s32 s10, $0x1;
	s10 =	sld [smem:$0x3FAC];
	_ =	sdelay $0x3  }
0x34: {  	[smem:$0x3FAC] =	sst s10  }
0x35: {  	s10 =	sld [smem:$0x3FAB];
	_ =	sdelay $0x3  }
0x36: {  	p1 =	seq.s32 s10, $0x1;
	s10 =	sld [smem:$0x3FAC];
	_ =	sdelay $0x3  }
0x37: {  	[smem:$0x3FAC] =	sst s10  }
0x38: {  	s10 =	sld [smem:$0x3FAD]  }
0x39: {  	_ = 	snop;
	(pc) =	sbr.ind lr, $3  }
0x3a: {  	_ = 	snop  }
0x3b: {  	_ = 	snop  }
0x3c: {  	p2 =	seq.s32 s10, $0x1;
	s10 =	sld [smem:$0x3FAC]  }
0x3d: {  	_ =	shalt  }
0x3e: {  	_ =	shalt  }
0x3f: {  	_ =	shalt  }
0x40: {  	_ =	shalt  }
0x41: {  	_ =	shalt  }
0x42: {  	_ =	shalt  }
0x43: {  	_ =	shalt  }
0x44: {  	_ =	shalt  }
0x45: {  	_ =	shalt  }
0x46: {  	_ =	shalt  }
0x47: {  	_ =	shalt  }
0x48: {  	_ =	shalt  }
0x49: {  	_ =	shalt  }
0x4a: {  	_ =	shalt  }
0x4b: {  	_ =	shalt  }
0x4c: {  	_ =	shalt  }
0x4d: {  	_ =	shalt  }
0x4e: {  	_ =	shalt  }
0x4f: {  	_ =	shalt  }
0x50: {  	_ =	shalt  }
0x51: {  	_ =	shalt  }
0x52: {  	_ =	shalt  }
0x53: {  	_ =	shalt  }
0x54: {  	_ =	shalt  }
0x55: {  	_ =	shalt  }
0x56: {  	_ =	shalt  }
0x57: {  	_ =	shalt  }
0x58: {  	_ =	shalt  }
0x59: {  	_ =	shalt  }
0x5a: {  	_ =	shalt  }
0x5b: {  	_ =	shalt  }
0x5c: {  	_ =	shalt  }
0x5d: {  	_ =	shalt  }
0x5e: {  	_ =	shalt  }
0x5f: {  	_ =	shalt  }
0x60: {  	_ =	shalt  }
0x61: {  	_ =	shalt  }
0x62: {  	_ =	shalt  }
0x63: {  	_ =	shalt  }
0x64: {  	_ =	shalt  }
0x65: {  	_ =	shalt  }
0x66: {  	_ =	shalt  }
0x67: {  	_ =	shalt  }
0x68: {  	_ =	shalt  }
0x69: {  	_ =	shalt  }
0x6a: {  	_ =	shalt  }
0x6b: {  	_ =	shalt  }
0x6c: {  	_ =	shalt  }
0x6d: {  	_ =	shalt  }
0x6e: {  	_ =	shalt  }
0x6f: {  	_ =	shalt  }
0x70: {  	_ =	shalt  }
0x71: {  	_ =	shalt  }
0x72: {  	_ =	shalt  }
0x73: {  	_ =	shalt  }
0x74: {  	_ =	shalt  }
0x75: {  	_ =	shalt  }
0x76: {  	_ =	shalt  }
0x77: {  	_ =	shalt  }
0x78: {  	_ =	shalt  }
0x79: {  	_ =	shalt  }
0x7a: {  	_ =	shalt  }
0x7b: {  	_ =	shalt  }
0x7c: {  	_ =	shalt  }
0x7d: {  	_ =	shalt  }
0x7e: {  	_ =	shalt  }
0x7f: {  	_ =	shalt  }
0x80: {  	_ =	shalt  }
0x81: {  	_ =	shalt  }
0x82: {  	_ =	shalt  }
0x83: {  	_ =	shalt  }
0x84: {  	_ =	shalt  }
0x85: {  	_ =	shalt  }
0x86: {  	_ =	shalt  }
0x87: {  	_ =	shalt  }
.Lfunc_end0:
.L_simem_size_0:
called_computation_lowered:
.L_overlay_start_0:
0x88: {  	s2 =	sld [smem:$0x3FD9]  }
0x89: {  	s3 =	sld [smem:$0x3FFE];
	_ =	sdelay $0x1  }
0x8a: {  	s1 =	srdreg.scid  }
0x8b: {  	s0 =	sand.u32 $0x1, s1  }
0x8c: {  	s17 =	sshll.u32 s0, $0xA;
	s2 =	sadd.s32 s3, s2  }
0x8d: {  	s2 =	sadd.s32 s2, s17  }
0x8e: {  	[smem:$0x3FB8] =	sst s2  }
0x8f: {  	_ = 	snop  }
0x90: {  	(tm) =	ssettm $0x1  }
0x91: {  	s18 =	sld [smem:$0x3FFB];
	_ =	sdelay $0x3  }
0x92: {  	_ =	strace s18  }
0x93: {  	s2 =	sld [smem:$0x3FFC];
	_ =	sdelay $0x3  }
0x94: {  	_ =	strace s2  }
0x95: {  	s2 =	sld [smem:$0x3FFD];
	_ =	sdelay $0x3  }
0x96: {  	_ =	strace s2  }
0x97: {  	_ =	strace $0x8FFFFFFF  }
0x98: {  	s19 =	sld [smem:$0x3FDB];
	_ =	sdelay $0x1  }
0x99: {  	s20 =	simm.s32 $_scs_section_size  }
0x9a: {  	s4 =	simm.s32 $_size__tile_overlayer_lowered;
	s5 =	simm.s32 $_tile_overlayer_lowered  }
0x9b: {  	s6 =	simm.s32 $0x1BFF;
	s21 =	sshll.u32 s5, $0x1;
	s3 =	sadd.s32 s20, s19  }
0x9c: {  	s22 =	simm.s32 $0x0;
	s4 =	sshll.u32 s4, $0x1;
	s5 =	sadd.s32 s21, s3  }
0x9d: {  	[timem:s22], [sflag:s6] =	dma.local [hbm:s5], s4  }
0x9e: {  	_ =	swait.ge [sflag:s6], s4  }
0x9f: {  	s4 =	ssub.s32 $0x0, s4;
	[sflag:s6] =	ssyncset.done $0x0  }
0xa0: {  	[sflag:s6] =	ssyncadd.s32 s4;
	_ =	sdelay $0x1  }
0xa1: {  	s23 =	simm.s32 $0x1B8B  }
0xa2: {  	_ =	swait.ge [sflag:s23], $0x1  }
0xa3: {  	[sflag:s23] =	ssyncset.done $0x0  }
0xa4: {  	[sflag:s23] =	ssyncadd.s32 $0xFFFFFFFF  }
0xa5: {  	s4 =	sld [smem:$0x0]  }
0xa6: {  	s5 =	sand.u32 $0xFFFFFFFE, s1  }
0xa7: {  	p0 =	sne.s32 s1, s5  }
0xa8: {  	s5 =	sshll.u32 @p0 s5, $0xE  }
0xa9: {  	s5 =	sadd.s32 @p0 $0x11B8D, s5;
	s6 =	sshll.u32 @p0 s4, $0x11  }
0xaa: {  	s5 =	sor.u32 @p0 s6, s5  }
0xab: {  	[sflag:s5] =	ssyncadd.remote.s32 @p0 $0x1;
	_ =	sdelay $0x1  }
0xac: {  	s5 =	simm.s32 @p0 $0x1B8D  }
0xad: {  	_ =	swait.eq @p0 [sflag:s5], $0x1  }
0xae: {  	[sflag:s5] =	ssyncadd.s32 @p0 $0xFFFFFFFF  }
0xaf: {  	s6 =	sshll.u32 @!p0 s1, $0xE  }
0xb0: {  	s6 =	sor.u32 @!p0 $0x4000, s6;
	s5 =	simm.s32 @!p0 $0x1B8D  }
0xb1: {  	s4 =	sshll.u32 @!p0 s4, $0x11;
	s6 =	sadd.s32 @!p0 $0x11B8D, s6;
	_ =	swait.eq @!p0 [sflag:s5], $0x1  }
0xb2: {  	s4 =	sor.u32 @!p0 s4, s6;
	[sflag:s5] =	ssyncadd.s32 @!p0 $0xFFFFFFFF  }
0xb3: {  	s25 =	simm.s32 $0x1B8E;
	s24 =	sld [smem:$0x3FFE];
	[sflag:s4] =	ssyncadd.remote.s32 @!p0 $0x1  }
0xb4: {  	s26 =	simm.s32 $execute0_lowered;
	[smem:$0x3FD2] =	sst s25  }
0xb5: {  	s5 =	sshll.u32 s26, $0x1;
	_ =	strace $0x80000049;
	[dreg:$0x1] =	wrdreg $0xFFFFFFFF  }
0xb6: {  	s28 =	simm.s32 $_size_execute0_lowered;
	s3 =	sadd.s32 s3, s5;
	[dreg:$0x0] =	wrdreg $0x0  }
0xb7: {  	s5 =	sshll.u32 s28, $0x1;
	[dreg:$0x2] =	wrdreg s3  }
0xb8: {  	[dreg:$0x3] =	wrdreg s5  }
0xb9: {  	[dreg:$0x4] =	wrdreg $0xC0  }
0xba: {  	_ =	task [dreg:s22], $0x5FFFF  }
0xbb: {  	[dreg:$0x1] =	wrdreg $0xFFFFFFFF  }
0xbc: {  	[dreg:$0x0] =	wrdreg $0x60  }
0xbd: {  	[dreg:$0x2] =	wrdreg s24  }
0xbe: {  	[dreg:$0x3] =	wrdreg $0x40800  }
0xbf: {  	[dreg:$0x4] =	wrdreg $0x9  }
0xc0: {  	_ =	task.clear_ibuf [dreg:s22], $0x5FFFF;
	_ =	strace $0x90000049  }
0xc1: {  	s29 =	simm.s32 $0x9;
	_ =	strace $0x8000004B  }
0xc2: {  	_ =	swait.ge [sflag:s29], $0x1  }
0xc3: {  	[sflag:s29] =	ssyncadd.s32 $0xFFFFFFFF  }
0xc4: {  	_ =	strace $0x9000004B  }
0xc5: {  	_ =	sfence  }
0xc6: {  	s30 =	sld [smem:$0x0];
	_ =	sdelay $0x2  }
0xc7: {  	s31 =	sshll.u32 s1, $0xD;
	s1 =	sshrl.u32 s1, $0x2  }
0xc8: {  	s4 =	sand.u32 $0x4000, s31;
	s1 =	sadd.s32 s1, s30  }
0xc9: {  	s0 =	sor.u32 s4, s0;
	s1 =	sshll.u32 s1, $0x11  }
0xca: {  	s0 =	sor.u32 s1, s0  }
0xcb: {  	s0 =	sadd.s32 $0x8F2B, s0  }
0xcc: {  	[sflag:s0] =	ssyncadd.remote.s32 $0x1  }
0xcd: {  	_ =	sfence.sel $0xFFFF  }
0xce: {  	[dreg:$0x0] =	wrdreg $0xFFFFFFFF;
	(pc) =	sbr.abs _section_cstart, $3  }
0xcf: {  	[dreg:$0x1] =	wrdreg $0xFFFFFFFF  }
0xd0: {  	_ =	task.clear_ibuf [dreg:s22], $0x2FFFF;
	_ =	strace $0x9FFFFFFF  }
0xd1: {  	(tm) =	ssettm $0x7FFFFFFF  }
tec
execute0_lowered:
.L_overlay_start_1:
0x0: {  	(tag) =	ssettag $0x1  }
0x1: {  	s5 =	rddreg [dreg:$0x0]  }
0x2: {  	s2 =	rddreg [dreg:$0x1]  }
0x3: {  	s0 =	rddreg [dreg:$0x2];
	s1 =	stileid.u32  }
0x4: {  	s6 =	srdreg.scid;
	s3 =	simm.s32 $0x0;
	s4 =	smul.u32 $0x9E0, s1  }
0x5: {  	s13 =	simm.s32 $0x0;
	s7 =	smul.u32 $0x13C00, s1;
	s6 =	sand.u32 $0x1, s6  }
0x6: {  	[smem:$0x7FF] =	sst s3;
	s11 =	smul.u32 $0x4F000, s1;
	s30 =	sshll.u32 s1, $0x6  }
0x7: {  	s8 =	smul.u32 $0x13C000, s6;
	_ =	strace $0x8000004A;
	s25 =	ssub.s32 $0x2, s6  }
0x8: {  	s29 =	smul.u32 $0x4F0, s6;
	s6 =	sor.u32 $0x1C01, s30;
	s9 =	sshrl.u32 s7, $0x3  }
0x9: {  	s10 =	sadd.s32 s4, s5;
	s4 =	sadd.s32 $0x8E400, s5;
	s26 =	sshrl.u32 s25, $0x1  }
0xa: {  	s28 =	sshrl.u32 s11, $0x2;
	s11 =	simm.s32 $0x1;
	s9 =	sadd.s32 s9, s5  }
0xb: {  	s24 =	sadd.s32 s7, s8;
	s8 =	ssub.s32 s25, s26;
	s12 =	sadd.s32 s28, s2  }
0xc: {  	s31 =	sadd.s32 s29, s10;
	s7 =	sshrl.u32 s24, $0x3;
	s8 =	smax.u32 s8, $0x1  }
0xd: {  	s10 =	sshrl.u32 s12, $0x3;
	s12 =	simm.s32 $0x80;
	s7 =	sadd.s32 s7, s5  }
0xe: {  	s5 =	sadd.s32 $0x17C00, s9;
	s9 =	sadd.s32 $0x4000, s31;
	s7 =	sadd.s32 $0x8EC00, s7  }
.LBB2_1:
0xf: {  	[spmem:s10], [sflag:s6] =	dma.local [hbm:s5], $0x2780  }
0x10: {  	_ =	swait.ge [sflag:s11], $0x2780  }
0x11: {  	[sflag:s11] =	ssyncset.done $0x0  }
0x12: {  	[sflag:s11] =	ssyncadd.s32 $0xFFFFD880  }
0x13: {  	[tilespmem:s12], [sflag:$0x1] =	stream.linear.gather [hbm4b:s4+s3], $0x4000, $0x38;
	[tilespmem:$0x17C80] =	vst v63  }
0x14: {  	_ =	swait.ge [sflag:s11], $0x4000  }
0x15: {  	[sflag:s11] =	ssyncset.done $0x0  }
0x16: {  	[sflag:s11] =	ssyncadd.s32 $0xFFFFC000  }
0x17: {  	s14 =	sadd.s32 $0x0, s9;
	[bflag:$0x0] =	sbarrier.arrive $0xFFFF  }
0x18: {  	[tilespmem:s3], [sflag:$0x1] =	stream.linear.gather [hbm4b:s14+s3], $0x80, $0x38;
	[tilespmem:$0x17C80] =	vst v63  }
0x19: {  	_ =	swait.ge [sflag:s11], $0x80  }
0x1a: {  	[sflag:s11] =	ssyncset.done $0x0  }
0x1b: {  	[sflag:s11] =	ssyncadd.s32 $0xFFFFFF80  }
0x1c: {  	[spmem:s2] =	stream.indirect.scatter.add.f32 [tilespmem:s12], [sflag:$0x1], $0x80, s3, s12, $0xb8;
	[tilespmem:$0x17C80] =	vst v63  }
0x1d: {  	_ =	swait.ge [sflag:s11], $0x4000  }
0x1e: {  	s15 =	simm.s32 $0x20;
	s14 =	simm.s32 $0x10;
	[sflag:s11] =	ssyncset.done $0x0  }
.LBB2_2:
0x1f: {  	s16 =	sadd.s32 s14, s9  }
0x20: {  	[sflag:s11] =	ssyncadd.s32 $0xFFFFC000;
	s14 =	smov.u32 s15;
	s17 =	sadd.s32 $0x10, s15  }
0x21: {  	[tilespmem:s3], [sflag:$0x1] =	stream.linear.gather [hbm4b:s16+s3], $0x80, $0x38;
	[tilespmem:$0x17C80] =	vst v63  }
0x22: {  	p0 =	sne.s32 s15, $0x4E0;
	_ =	swait.ge [sflag:s11], $0x80  }
.Ltmp0:
0x23: {  	[sflag:s11] =	ssyncset.done $0x0;
	(pc) =	sbr.rel @p0 .LBB2_2-.Ltmp0, $4  }
0x24: {  	[sflag:s11] =	ssyncadd.s32 $0xFFFFFF80  }
0x25: {  	[spmem:s2] =	stream.indirect.scatter.add.f32 [tilespmem:s12], [sflag:$0x1], $0x80, s3, s12, $0xb8;
	[tilespmem:$0x17C80] =	vst v63  }
0x26: {  	_ =	swait.ge [sflag:s11], $0x4000  }
0x27: {  	s15 =	smov.u32 s17;
	[sflag:s11] =	ssyncset.done $0x0  }
0x28: {  	s14 =	sadd.s32 s14, s9;
	[sflag:s11] =	ssyncadd.s32 $0xFFFFC000  }
0x29: {  	[tilespmem:s3], [sflag:$0x1] =	stream.linear.gather [hbm4b:s14+s3], $0x80, $0x38;
	[tilespmem:$0x17C80] =	vst v63  }
0x2a: {  	_ =	swait.ge [sflag:s11], $0x80  }
0x2b: {  	[sflag:s11] =	ssyncset.done $0x0  }
0x2c: {  	[sflag:s11] =	ssyncadd.s32 $0xFFFFFF80  }
0x2d: {  	[spmem:s2] =	stream.indirect.scatter.add.f32 [tilespmem:s12], [sflag:$0x1], $0x80, s3, s12, $0xb8;
	[tilespmem:$0x17C80] =	vst v63  }
0x2e: {  	_ =	swait.ge [sflag:s11], $0x4000  }
0x2f: {  	s13 =	sadd.s32 $0x1, s13;
	[sflag:s11] =	ssyncset.done $0x0  }
0x30: {  	p0 =	sne.s32 s13, s8;
	[sflag:s11] =	ssyncadd.s32 $0xFFFFC000  }
.Ltmp1:
0x31: {  	[bflag:$0x0] =	sbarrier.arrive $0xFFFF;
	(pc) =	sbr.rel @p0 .LBB2_1-.Ltmp1, $4  }
0x32: {  	[hbm:s7], [sflag:s6] =	dma.local [spmem:s10], $0x2780  }
0x33: {  	_ =	swait.ge [sflag:s11], $0x2780  }
0x34: {  	[sflag:s11] =	ssyncset.done $0x0  }
0x35: {  	[sflag:s11] =	ssyncadd.s32 $0xFFFFD880  }
0x36: {  	_ =	sfence.sel $0x180000  }
0x37: {  	[bflag:$0x0] =	sbarrier.arrive $0xFFFF  }
0x38: {  	p0 =	sne.s32 s1, $0x0;
	_ =	strace $0x9000004A  }
0x39: {  	s0 =	sadd.s32 @!p0 $0x100000, s0;
	[bflag:$0x2] =	sbarrier.arrive $0xFFFF  }
0x3a: {  	[sflag:s0] =	ssyncadd.tile.s32 @!p0 $0x1;
	_ =	shalt  }
.Lfunc_end2:
_tile_overlayer_lowered:
.L_overlay_start_2:
0x3b: {  	(tag) =	ssettag $0x2  }
0x3c: {  	s0 =	rddreg [dreg:$0x0];
	s2 =	stileid.u32  }
0x3d: {  	s1 =	rddreg [dreg:$0x1];
	p0 =	sne.s32 s2, $0x0  }
0x3e: {  	s3 =	rddreg [dreg:$0x2];
	[bflag:$0x3] =	sbarrier.arrive $0xFFFF;
	s2 =	simm.s32 @!p0 $0x1C01  }
0x3f: {  	[timem:s3], [sflag:s2] =	dma.local @!p0 [hbm:s0], s1  }
0x40: {  	s0 =	simm.s32 @!p0 $0x1  }
0x41: {  	_ =	swait.ge @!p0 [sflag:s0], s1  }
0x42: {  	s1 =	ssub.s32 @!p0 $0x0, s1;
	[sflag:s0] =	ssyncset.done @!p0 $0x0  }
0x43: {  	[sflag:s0] =	ssyncadd.s32 @!p0 s1  }
0x44: {  	[bflag:$0x3] =	sbarrier.arrive $0xFFFF  }
0x45: {  	_ =	shalt  }

// kernel: kernel.14.cloned.1.call-start
scs
__scs_entry_jumppad:
0x0: {  	(pc) =	sbr.rel $0x88, $3  }
0x1: {  	(tag) =	ssettag $0x0;
	lr =	simm.s32 $0x1  }
0x2: {  	[smem:$0x3F91] =	sst lr;
	_ =	strace $0xD0000000  }
0x3: {  	_ = 	snop  }
0x4: {  	_ = 	snop  }
0x5: {  	_ = 	snop  }
0x6: {  	_ = 	snop  }
0x7: {  	_ = 	snop  }
__scs_overlays_trampoline_lowered:
0x8: {  	[smem:$0x3FA0] =	sst s0  }
0x9: {  	[smem:$0x3FA1] =	sst s1  }
0xa: {  	[smem:$0x3FA2] =	sst s2  }
0xb: {  	[smem:$0x3FA3] =	sst s3  }
0xc: {  	[smem:$0x3FA4] =	sst s4  }
0xd: {  	[smem:$0x3FA5] =	sst s5  }
0xe: {  	[smem:$0x3FA6] =	sst s6  }
0xf: {  	[smem:$0x3FA7] =	sst s7  }
0x10: {  	[smem:$0x3FA8] =	sst s8  }
0x11: {  	[smem:$0x3FA9] =	sst s9;
	s0 =	simm.s32 @!p0 $0x0  }
0x12: {  	s1 =	sld [smem:$0x3F8F];
	s0 =	simm.s32 @p0 $0x1  }
0x13: {  	[smem:$0x3FAA] =	sst s0;
	s0 =	simm.s32 @!p1 $0x0  }
0x14: {  	s2 =	sld [smem:$0x3F8E];
	s0 =	simm.s32 @p1 $0x1  }
0x15: {  	[smem:$0x3FAB] =	sst s0;
	s0 =	simm.s32 @!p2 $0x0  }
0x16: {  	s3 =	sld [smem:$0x3FDB];
	s0 =	simm.s32 @p2 $0x1  }
0x17: {  	s4 =	simm.s32 $0x1BF5;
	[smem:$0x3FAD] =	sst s0  }
0x18: {  	s0 =	sld [smem:$0x3F90];
	_ =	swait.ge [sflag:s4], $0x0  }
0x19: {  	s7 =	sld [smem:$0x3F91]  }
0x1a: {  	s8 =	sadd.s32 $0xFFFFE003, lr  }
0x1b: {  	s9 =	sadd.s32 $0xFFFFFEF7, lr;
	s5 =	simm.s32 $0xFFFFFFFF;
	p2 =	slt.u32 s8, $0xFFFFF086  }
0x1c: {  	p1 =	slt.u32 s9, $0xF7A;
	s5 =	simm.s32 @!p2 $0x0  }
0x1d: {  	s5 =	simm.s32 @p1 $0x1;
	p0 =	seq.s32 s7, s2  }
0x1e: {  	s7 =	smul.u32 @!p0 $0xF7A, s2;
	p2 =	seq.s32 @!p0 s5, $0x0  }
0x1f: {  	s9 =	smul.u32 $0xF7A, s1;
	s8 =	simm.s32 @!p0 $0x1BF5;
	p2 =	por !p2, p0  }
0x20: {  	[sflag:s8] =	ssyncset.s32 @!p0 $0xFFFFF086;
	s6 =	sadd.s32 @!p0 s3, s7;
	s7 =	simm.s32 @!p0 $0x108  }
0x21: {  	s3 =	sadd.s32 s3, s9;
	s6 =	sadd.s32 @!p0 $0x88, s6;
	s7 =	simm.s32 @p2 $0x1082  }
0x22: {  	[simem:s7], [sflag:s8] =	dma.local @!p0 [hbm:s6], $0xF7A  }
0x23: {  	s9 =	sor.u32 $0xD0000000, s2;
	s6 =	simm.s32 $0x108;
	_ =	swait.ge @!p0 [sflag:s8], $0x0  }
0x24: {  	s3 =	sadd.s32 $0x88, s3;
	s6 =	simm.s32 @!p1 $0x1082;
	[sflag:s4] =	ssyncset.s32 $0xFFFFF086  }
0x25: {  	[simem:s6], [sflag:s4] =	dma.local [hbm:s3], $0xF7A  }
0x26: {  	[smem:$0x3F91] =	sst s1;
	(tag) =	ssettag s2;
	_ =	strace s9  }
0x27: {  	s1 =	sld [smem:$0x3FA1]  }
0x28: {  	s2 =	sld [smem:$0x3FA2]  }
0x29: {  	s4 =	sld [smem:$0x3FA4]  }
0x2a: {  	p0 =	seq.s32 s5, $0x0;
	s5 =	sld [smem:$0x3FA5]  }
0x2b: {  	s6 =	sld [smem:$0x3FA6]  }
0x2c: {  	s7 =	sld [smem:$0x3FA7]  }
0x2d: {  	s3 =	simm.s32 $0x108;
	s8 =	sld [smem:$0x3FA8]  }
0x2e: {  	s3 =	simm.s32 @!p0 $0x1082;
	s9 =	sld [smem:$0x3FA9]  }
0x2f: {  	lr =	sadd.s32 s0, s3;
	s0 =	sld [smem:$0x3FA0]  }
0x30: {  	s3 =	sld [smem:$0x3FA3]  }
0x31: {  	[smem:$0x3FAC] =	sst s10  }
0x32: {  	s10 =	sld [smem:$0x3FAA];
	_ =	sdelay $0x3  }
0x33: {  	p0 =	seq.s32 s10, $0x1;
	s10 =	sld [smem:$0x3FAC];
	_ =	sdelay $0x3  }
0x34: {  	[smem:$0x3FAC] =	sst s10  }
0x35: {  	s10 =	sld [smem:$0x3FAB];
	_ =	sdelay $0x3  }
0x36: {  	p1 =	seq.s32 s10, $0x1;
	s10 =	sld [smem:$0x3FAC];
	_ =	sdelay $0x3  }
0x37: {  	[smem:$0x3FAC] =	sst s10  }
0x38: {  	s10 =	sld [smem:$0x3FAD]  }
0x39: {  	_ = 	snop;
	(pc) =	sbr.ind lr, $3  }
0x3a: {  	_ = 	snop  }
0x3b: {  	_ = 	snop  }
0x3c: {  	p2 =	seq.s32 s10, $0x1;
	s10 =	sld [smem:$0x3FAC]  }
0x3d: {  	_ =	shalt  }
0x3e: {  	_ =	shalt  }
0x3f: {  	_ =	shalt  }
0x40: {  	_ =	shalt  }
0x41: {  	_ =	shalt  }
0x42: {  	_ =	shalt  }
0x43: {  	_ =	shalt  }
0x44: {  	_ =	shalt  }
0x45: {  	_ =	shalt  }
0x46: {  	_ =	shalt  }
0x47: {  	_ =	shalt  }
0x48: {  	_ =	shalt  }
0x49: {  	_ =	shalt  }
0x4a: {  	_ =	shalt  }
0x4b: {  	_ =	shalt  }
0x4c: {  	_ =	shalt  }
0x4d: {  	_ =	shalt  }
0x4e: {  	_ =	shalt  }
0x4f: {  	_ =	shalt  }
0x50: {  	_ =	shalt  }
0x51: {  	_ =	shalt  }
0x52: {  	_ =	shalt  }
0x53: {  	_ =	shalt  }
0x54: {  	_ =	shalt  }
0x55: {  	_ =	shalt  }
0x56: {  	_ =	shalt  }
0x57: {  	_ =	shalt  }
0x58: {  	_ =	shalt  }
0x59: {  	_ =	shalt  }
0x5a: {  	_ =	shalt  }
0x5b: {  	_ =	shalt  }
0x5c: {  	_ =	shalt  }
0x5d: {  	_ =	shalt  }
0x5e: {  	_ =	shalt  }
0x5f: {  	_ =	shalt  }
0x60: {  	_ =	shalt  }
0x61: {  	_ =	shalt  }
0x62: {  	_ =	shalt  }
0x63: {  	_ =	shalt  }
0x64: {  	_ =	shalt  }
0x65: {  	_ =	shalt  }
0x66: {  	_ =	shalt  }
0x67: {  	_ =	shalt  }
0x68: {  	_ =	shalt  }
0x69: {  	_ =	shalt  }
0x6a: {  	_ =	shalt  }
0x6b: {  	_ =	shalt  }
0x6c: {  	_ =	shalt  }
0x6d: {  	_ =	shalt  }
0x6e: {  	_ =	shalt  }
0x6f: {  	_ =	shalt  }
0x70: {  	_ =	shalt  }
0x71: {  	_ =	shalt  }
0x72: {  	_ =	shalt  }
0x73: {  	_ =	shalt  }
0x74: {  	_ =	shalt  }
0x75: {  	_ =	shalt  }
0x76: {  	_ =	shalt  }
0x77: {  	_ =	shalt  }
0x78: {  	_ =	shalt  }
0x79: {  	_ =	shalt  }
0x7a: {  	_ =	shalt  }
0x7b: {  	_ =	shalt  }
0x7c: {  	_ =	shalt  }
0x7d: {  	_ =	shalt  }
0x7e: {  	_ =	shalt  }
0x7f: {  	_ =	shalt  }
0x80: {  	_ =	shalt  }
0x81: {  	_ =	shalt  }
0x82: {  	_ =	shalt  }
0x83: {  	_ =	shalt  }
0x84: {  	_ =	shalt  }
0x85: {  	_ =	shalt  }
0x86: {  	_ =	shalt  }
0x87: {  	_ =	shalt  }
.Lfunc_end0:
.L_simem_size_0:
called_computation.1_lowered:
.L_overlay_start_0:
0x88: {  	s2 =	sld [smem:$0x3FD9]  }
0x89: {  	s3 =	sld [smem:$0x3FFE];
	_ =	sdelay $0x1  }
0x8a: {  	s1 =	srdreg.scid  }
0x8b: {  	s0 =	sand.u32 $0x1, s1  }
0x8c: {  	s17 =	sshll.u32 s0, $0xA;
	s2 =	sadd.s32 s3, s2  }
0x8d: {  	s2 =	sadd.s32 s2, s17  }
0x8e: {  	[smem:$0x3FB8] =	sst s2  }
0x8f: {  	_ = 	snop  }
0x90: {  	s2 =	sld [smem:$0x3FC9];
	(tm) =	ssettm $0x1  }
0x91: {  	s18 =	sld [smem:$0x3FFB];
	_ =	sdelay $0x3  }
0x92: {  	_ =	strace s18  }
0x93: {  	s3 =	sld [smem:$0x3FFC];
	_ =	sdelay $0x3  }
0x94: {  	_ =	strace s3  }
0x95: {  	s3 =	sld [smem:$0x3FFD];
	_ =	sdelay $0x3  }
0x96: {  	_ =	strace s3  }
0x97: {  	_ =	strace $0x8FFFFFFF  }
0x98: {  	s19 =	sld [smem:$0x3FDB];
	_ =	sdelay $0x1  }
0x99: {  	s4 =	simm.s32 $_scs_section_size  }
0x9a: {  	s5 =	simm.s32 $_size__tile_overlayer_lowered;
	s6 =	simm.s32 $_tile_overlayer_lowered  }
0x9b: {  	s22 =	simm.s32 $0x1BFF;
	s21 =	sshll.u32 s6, $0x1;
	s3 =	sadd.s32 s4, s19  }
0x9c: {  	s7 =	simm.s32 $0x0;
	s20 =	sshll.u32 s5, $0x1;
	s5 =	sadd.s32 s21, s3  }
0x9d: {  	[timem:s7], [sflag:s22] =	dma.local [hbm:s5], s20  }
0x9e: {  	_ =	swait.ge [sflag:s22], s20  }
0x9f: {  	s4 =	ssub.s32 $0x0, s20;
	[sflag:s22] =	ssyncset.done $0x0  }
0xa0: {  	[sflag:s22] =	ssyncadd.s32 s4;
	_ =	sdelay $0x1  }
0xa1: {  	s23 =	simm.s32 $0x1B8B  }
0xa2: {  	_ =	swait.ge [sflag:s23], $0x1  }
0xa3: {  	[sflag:s23] =	ssyncset.done $0x0  }
0xa4: {  	s25 =	simm.s32 $0x1B8E;
	s24 =	sld [smem:$0x3FFE];
	[sflag:s23] =	ssyncadd.s32 $0xFFFFFFFF  }
0xa5: {  	s26 =	simm.s32 $execute0_lowered;
	[smem:$0x3FD2] =	sst s25  }
0xa6: {  	s5 =	sshll.u32 s26, $0x1;
	_ =	strace $0x80000046;
	[dreg:$0x1] =	wrdreg $0xFFFFFFFF  }
0xa7: {  	s28 =	simm.s32 $_size_execute0_lowered;
	s3 =	sadd.s32 s3, s5;
	[dreg:$0x0] =	wrdreg $0x0  }
0xa8: {  	s5 =	sshll.u32 s28, $0x1;
	[dreg:$0x2] =	wrdreg s3  }
0xa9: {  	[dreg:$0x3] =	wrdreg s5  }
0xaa: {  	[dreg:$0x4] =	wrdreg $0xC0  }
0xab: {  	_ =	task [dreg:s7], $0x5FFFF  }
0xac: {  	[dreg:$0x1] =	wrdreg $0xFFFFFFFF  }
0xad: {  	[dreg:$0x0] =	wrdreg $0x60  }
0xae: {  	[dreg:$0x2] =	wrdreg s2  }
0xaf: {  	[dreg:$0x3] =	wrdreg s24  }
0xb0: {  	[dreg:$0x4] =	wrdreg $0x41000  }
0xb1: {  	[dreg:$0x5] =	wrdreg $0xA  }
0xb2: {  	_ =	task.clear_ibuf [dreg:s7], $0x6FFFF;
	_ =	strace $0x90000046  }
0xb3: {  	s29 =	simm.s32 $0xA;
	_ =	strace $0x80000048  }
0xb4: {  	_ =	swait.ge [sflag:s29], $0x1  }
0xb5: {  	[sflag:s29] =	ssyncadd.s32 $0xFFFFFFFF  }
0xb6: {  	_ =	strace $0x90000048  }
0xb7: {  	_ =	sfence  }
0xb8: {  	s30 =	sld [smem:$0x0];
	_ =	sdelay $0x2  }
0xb9: {  	s31 =	sshll.u32 s1, $0xD;
	s1 =	sshrl.u32 s1, $0x2  }
0xba: {  	s3 =	sand.u32 $0x4000, s31;
	s1 =	sadd.s32 s1, s30  }
0xbb: {  	s0 =	sor.u32 s3, s0;
	s1 =	sshll.u32 s1, $0x11  }
0xbc: {  	s0 =	sor.u32 s1, s0  }
0xbd: {  	s0 =	sadd.s32 $0x8F2B, s0  }
0xbe: {  	[sflag:s0] =	ssyncadd.remote.s32 $0x1  }
0xbf: {  	_ =	sfence.sel $0xFFFF  }
0xc0: {  	[dreg:$0x0] =	wrdreg $0xFFFFFFFF;
	(pc) =	sbr.abs _section_cstart, $3  }
0xc1: {  	[dreg:$0x1] =	wrdreg $0xFFFFFFFF  }
0xc2: {  	_ =	task.clear_ibuf [dreg:s7], $0x2FFFF;
	_ =	strace $0x9FFFFFFF  }
0xc3: {  	(tm) =	ssettm $0x7FFFFFFF  }
tec
execute0_lowered:
.L_overlay_start_1:
0x0: {  	(tag) =	ssettag $0x1  }
0x1: {  	s2 =	rddreg [dreg:$0x0]  }
0x2: {  	s5 =	rddreg [dreg:$0x1]  }
0x3: {  	s3 =	rddreg [dreg:$0x2]  }
0x4: {  	s0 =	rddreg [dreg:$0x3]  }
0x5: {  	s1 =	stileid.u32;
	s7 =	srdreg.scid;
	s4 =	simm.s32 $0x0  }
0x6: {  	s13 =	simm.s32 $0x80;
	s14 =	simm.s32 $0x100;
	s6 =	smul.u32 $0x9E0, s1  }
0x7: {  	s15 =	simm.s32 $0x1;
	s16 =	simm.s32 $0x0;
	s8 =	smul.u32 $0x13C00, s1  }
0x8: {  	s7 =	sand.u32 $0x1, s7;
	[smem:$0x7FF] =	sst s4;
	s11 =	smul.u32 $0x4F000, s1  }
0x9: {  	s31 =	sshll.u32 s1, $0x6;
	s9 =	smul.u32 $0x13C000, s7;
	_ =	strace $0x80000047  }
0xa: {  	s26 =	ssub.s32 $0x2, s7;
	s30 =	smul.u32 $0x4F0, s7;
	s10 =	sadd.s32 s6, s5  }
0xb: {  	s25 =	sshrl.u32 s8, $0x3;
	s28 =	sshrl.u32 s26, $0x1;
	s29 =	sshrl.u32 s11, $0x2  }
0xc: {  	s8 =	sadd.s32 s8, s9;
	s6 =	sadd.s32 s25, s5;
	s9 =	ssub.s32 s26, s28  }
0xd: {  	s12 =	sadd.s32 s29, s3;
	s10 =	sadd.s32 s30, s10;
	s8 =	sshrl.u32 s8, $0x3  }
0xe: {  	s11 =	sshrl.u32 s12, $0x3;
	s12 =	simm.s32 $0x2;
	s8 =	sadd.s32 s8, s5  }
0xf: {  	s5 =	sadd.s32 $0x17C00, s6;
	s6 =	sor.u32 $0x1C02, s31;
	s7 =	sadd.s32 $0x3F400, s8  }
0x10: {  	s8 =	smax.u32 s9, $0x1;
	s9 =	sadd.s32 $0x4000, s10;
	s10 =	sadd.s32 $0xDE00, s10  }
.LBB2_1:
0x11: {  	[spmem:s11], [sflag:s6] =	dma.local [hbm:s5], $0x2780  }
0x12: {  	_ =	swait.ge [sflag:s12], $0x2780  }
0x13: {  	[sflag:s12] =	ssyncset.done $0x0  }
0x14: {  	[sflag:s12] =	ssyncadd.s32 $0xFFFFD880  }
0x15: {  	s17 =	sadd.s32 $0x0, s10;
	[bflag:$0x0] =	sbarrier.arrive $0xFFFF  }
0x16: {  	[tilespmem:s4], [sflag:$0x2] =	stream.linear.gather [hbm4b:s17+s4], $0x80, $0x38;
	[tilespmem:$0x17D00] =	vst v63  }
0x17: {  	_ =	swait.ge [sflag:s12], $0x80  }
0x18: {  	[sflag:s12] =	ssyncset.done $0x0  }
0x19: {  	s31 =	sadd.s32 $0x0, s9;
	[sflag:s12] =	ssyncadd.s32 $0xFFFFFF80  }
0x1a: {  	[tilespmem:s13], [sflag:$0x2] =	stream.linear.gather [hbm4b:s31+s4], $0x80, $0x38;
	[tilespmem:$0x17D00] =	vst v63  }
0x1b: {  	_ =	swait.ge [sflag:s12], $0x80  }
0x1c: {  	[sflag:s12] =	ssyncset.done $0x0  }
0x1d: {  	[sflag:s12] =	ssyncadd.s32 $0xFFFFFF80  }
0x1e: {  	[tilespmem:s14], [sflag:$0x1] =	stream.indirect.gather [hbm4b:s2+s13], $0x80, s4, s13, $0xb8;
	[tilespmem:$0x17D00] =	vst v63  }
0x1f: {  	_ =	swait.ge [sflag:s15], $0x4000  }
0x20: {  	[sflag:s15] =	ssyncset.done $0x0  }
0x21: {  	[sflag:s15] =	ssyncadd.s32 $0xFFFFC000  }
0x22: {  	[spmem:s3] =	stream.indirect.scatter.add.f32 [tilespmem:s14], [sflag:$0x2], $0x80, s13, s13, $0xb8;
	[tilespmem:$0x17D00] =	vst v63  }
0x23: {  	_ =	swait.ge [sflag:s12], $0x4000  }
0x24: {  	s18 =	simm.s32 $0x20;
	s17 =	simm.s32 $0x10;
	[sflag:s12] =	ssyncset.done $0x0  }
.LBB2_2:
0x25: {  	s19 =	sadd.s32 s17, s10  }
0x26: {  	[sflag:s12] =	ssyncadd.s32 $0xFFFFC000;
	s20 =	smov.u32 s18;
	s21 =	sadd.s32 $0x10, s18  }
0x27: {  	[tilespmem:s4], [sflag:$0x2] =	stream.linear.gather [hbm4b:s19+s4], $0x80, $0x38;
	[tilespmem:$0x17D00] =	vst v63  }
0x28: {  	p0 =	sne.s32 s18, $0x4E0;
	_ =	swait.ge [sflag:s12], $0x80  }
0x29: {  	[sflag:s12] =	ssyncset.done $0x0  }
0x2a: {  	s18 =	sadd.s32 s17, s9;
	s17 =	smov.u32 s20;
	[sflag:s12] =	ssyncadd.s32 $0xFFFFFF80  }
0x2b: {  	[tilespmem:s13], [sflag:$0x2] =	stream.linear.gather [hbm4b:s18+s4], $0x80, $0x38;
	[tilespmem:$0x17D00] =	vst v63  }
0x2c: {  	_ =	swait.ge [sflag:s12], $0x80  }
0x2d: {  	[sflag:s12] =	ssyncset.done $0x0  }
0x2e: {  	[sflag:s12] =	ssyncadd.s32 $0xFFFFFF80  }
0x2f: {  	[tilespmem:s14], [sflag:$0x1] =	stream.indirect.gather [hbm4b:s2+s13], $0x80, s4, s13, $0xb8;
	[tilespmem:$0x17D00] =	vst v63  }
0x30: {  	_ =	swait.ge [sflag:s15], $0x4000  }
.Ltmp0:
0x31: {  	[sflag:s15] =	ssyncset.done $0x0;
	(pc) =	sbr.rel @p0 .LBB2_2-.Ltmp0, $4  }
0x32: {  	[sflag:s15] =	ssyncadd.s32 $0xFFFFC000  }
0x33: {  	[spmem:s3] =	stream.indirect.scatter.add.f32 [tilespmem:s14], [sflag:$0x2], $0x80, s13, s13, $0xb8;
	[tilespmem:$0x17D00] =	vst v63  }
0x34: {  	_ =	swait.ge [sflag:s12], $0x4000  }
0x35: {  	s18 =	smov.u32 s21;
	[sflag:s12] =	ssyncset.done $0x0  }
0x36: {  	s18 =	sadd.s32 s17, s10;
	[sflag:s12] =	ssyncadd.s32 $0xFFFFC000  }
0x37: {  	[tilespmem:s4], [sflag:$0x2] =	stream.linear.gather [hbm4b:s18+s4], $0x80, $0x38;
	[tilespmem:$0x17D00] =	vst v63  }
0x38: {  	_ =	swait.ge [sflag:s12], $0x80  }
0x39: {  	[sflag:s12] =	ssyncset.done $0x0  }
0x3a: {  	s31 =	sadd.s32 s17, s9;
	[sflag:s12] =	ssyncadd.s32 $0xFFFFFF80  }
0x3b: {  	[tilespmem:s13], [sflag:$0x2] =	stream.linear.gather [hbm4b:s31+s4], $0x80, $0x38;
	[tilespmem:$0x17D00] =	vst v63  }
0x3c: {  	_ =	swait.ge [sflag:s12], $0x80  }
0x3d: {  	[sflag:s12] =	ssyncset.done $0x0  }
0x3e: {  	[sflag:s12] =	ssyncadd.s32 $0xFFFFFF80  }
0x3f: {  	[tilespmem:s14], [sflag:$0x1] =	stream.indirect.gather [hbm4b:s2+s13], $0x80, s4, s13, $0xb8;
	[tilespmem:$0x17D00] =	vst v63  }
0x40: {  	_ =	swait.ge [sflag:s15], $0x4000  }
0x41: {  	[sflag:s15] =	ssyncset.done $0x0  }
0x42: {  	[sflag:s15] =	ssyncadd.s32 $0xFFFFC000  }
0x43: {  	[spmem:s3] =	stream.indirect.scatter.add.f32 [tilespmem:s14], [sflag:$0x2], $0x80, s13, s13, $0xb8;
	[tilespmem:$0x17D00] =	vst v63  }
0x44: {  	_ =	swait.ge [sflag:s12], $0x4000  }
0x45: {  	s16 =	sadd.s32 $0x1, s16;
	[sflag:s12] =	ssyncset.done $0x0  }
0x46: {  	p0 =	sne.s32 s16, s8;
	[sflag:s12] =	ssyncadd.s32 $0xFFFFC000  }
.Ltmp1:
0x47: {  	[bflag:$0x0] =	sbarrier.arrive $0xFFFF;
	(pc) =	sbr.rel @p0 .LBB2_1-.Ltmp1, $4  }
0x48: {  	[hbm:s7], [sflag:s6] =	dma.local [spmem:s11], $0x2780  }
0x49: {  	_ =	swait.ge [sflag:s12], $0x2780  }
0x4a: {  	[sflag:s12] =	ssyncset.done $0x0  }
0x4b: {  	[sflag:s12] =	ssyncadd.s32 $0xFFFFD880  }
0x4c: {  	_ =	sfence.sel $0x180000  }
0x4d: {  	[bflag:$0x0] =	sbarrier.arrive $0xFFFF  }
0x4e: {  	p0 =	sne.s32 s1, $0x0;
	_ =	strace $0x90000047  }
0x4f: {  	s0 =	sadd.s32 @!p0 $0x100000, s0;
	[bflag:$0x2] =	sbarrier.arrive $0xFFFF  }
0x50: {  	[sflag:s0] =	ssyncadd.tile.s32 @!p0 $0x1;
	_ =	shalt  }
.Lfunc_end2:
_tile_overlayer_lowered:
.L_overlay_start_2:
0x51: {  	(tag) =	ssettag $0x2  }
0x52: {  	s0 =	rddreg [dreg:$0x0];
	s2 =	stileid.u32  }
0x53: {  	s1 =	rddreg [dreg:$0x1];
	p0 =	sne.s32 s2, $0x0  }
0x54: {  	s3 =	rddreg [dreg:$0x2];
	[bflag:$0x3] =	sbarrier.arrive $0xFFFF;
	s2 =	simm.s32 @!p0 $0x1C02  }
0x55: {  	[timem:s3], [sflag:s2] =	dma.local @!p0 [hbm:s0], s1  }
0x56: {  	s0 =	simm.s32 @!p0 $0x2  }
0x57: {  	_ =	swait.ge @!p0 [sflag:s0], s1  }
0x58: {  	s1 =	ssub.s32 @!p0 $0x0, s1;
	[sflag:s0] =	ssyncset.done @!p0 $0x0  }
0x59: {  	[sflag:s0] =	ssyncadd.s32 @!p0 s1  }
0x5a: {  	[bflag:$0x3] =	sbarrier.arrive $0xFFFF  }
0x5b: {  	_ =	shalt  }

// kernel: kernel.17.cloned.1.call-start
scs
__scs_entry_jumppad:
0x0: {  	(pc) =	sbr.rel $0x88, $3  }
0x1: {  	(tag) =	ssettag $0x0;
	lr =	simm.s32 $0x1  }
0x2: {  	[smem:$0x3F91] =	sst lr;
	_ =	strace $0xD0000000  }
0x3: {  	_ = 	snop  }
0x4: {  	_ = 	snop  }
0x5: {  	_ = 	snop  }
0x6: {  	_ = 	snop  }
0x7: {  	_ = 	snop  }
__scs_overlays_trampoline_lowered:
0x8: {  	[smem:$0x3FA0] =	sst s0  }
0x9: {  	[smem:$0x3FA1] =	sst s1  }
0xa: {  	[smem:$0x3FA2] =	sst s2  }
0xb: {  	[smem:$0x3FA3] =	sst s3  }
0xc: {  	[smem:$0x3FA4] =	sst s4  }
0xd: {  	[smem:$0x3FA5] =	sst s5  }
0xe: {  	[smem:$0x3FA6] =	sst s6  }
0xf: {  	[smem:$0x3FA7] =	sst s7  }
0x10: {  	[smem:$0x3FA8] =	sst s8  }
0x11: {  	[smem:$0x3FA9] =	sst s9;
	s0 =	simm.s32 @!p0 $0x0  }
0x12: {  	s1 =	sld [smem:$0x3F8F];
	s0 =	simm.s32 @p0 $0x1  }
0x13: {  	[smem:$0x3FAA] =	sst s0;
	s0 =	simm.s32 @!p1 $0x0  }
0x14: {  	s2 =	sld [smem:$0x3F8E];
	s0 =	simm.s32 @p1 $0x1  }
0x15: {  	[smem:$0x3FAB] =	sst s0;
	s0 =	simm.s32 @!p2 $0x0  }
0x16: {  	s3 =	sld [smem:$0x3FDB];
	s0 =	simm.s32 @p2 $0x1  }
0x17: {  	s4 =	simm.s32 $0x1BF5;
	[smem:$0x3FAD] =	sst s0  }
0x18: {  	s0 =	sld [smem:$0x3F90];
	_ =	swait.ge [sflag:s4], $0x0  }
0x19: {  	s7 =	sld [smem:$0x3F91]  }
0x1a: {  	s8 =	sadd.s32 $0xFFFFE003, lr  }
0x1b: {  	s9 =	sadd.s32 $0xFFFFFEF7, lr;
	s5 =	simm.s32 $0xFFFFFFFF;
	p2 =	slt.u32 s8, $0xFFFFF086  }
0x1c: {  	p1 =	slt.u32 s9, $0xF7A;
	s5 =	simm.s32 @!p2 $0x0  }
0x1d: {  	s5 =	simm.s32 @p1 $0x1;
	p0 =	seq.s32 s7, s2  }
0x1e: {  	s7 =	smul.u32 @!p0 $0xF7A, s2;
	p2 =	seq.s32 @!p0 s5, $0x0  }
0x1f: {  	s9 =	smul.u32 $0xF7A, s1;
	s8 =	simm.s32 @!p0 $0x1BF5;
	p2 =	por !p2, p0  }
0x20: {  	[sflag:s8] =	ssyncset.s32 @!p0 $0xFFFFF086;
	s6 =	sadd.s32 @!p0 s3, s7;
	s7 =	simm.s32 @!p0 $0x108  }
0x21: {  	s3 =	sadd.s32 s3, s9;
	s6 =	sadd.s32 @!p0 $0x88, s6;
	s7 =	simm.s32 @p2 $0x1082  }
0x22: {  	[simem:s7], [sflag:s8] =	dma.local @!p0 [hbm:s6], $0xF7A  }
0x23: {  	s9 =	sor.u32 $0xD0000000, s2;
	s6 =	simm.s32 $0x108;
	_ =	swait.ge @!p0 [sflag:s8], $0x0  }
0x24: {  	s3 =	sadd.s32 $0x88, s3;
	s6 =	simm.s32 @!p1 $0x1082;
	[sflag:s4] =	ssyncset.s32 $0xFFFFF086  }
0x25: {  	[simem:s6], [sflag:s4] =	dma.local [hbm:s3], $0xF7A  }
0x26: {  	[smem:$0x3F91] =	sst s1;
	(tag) =	ssettag s2;
	_ =	strace s9  }
0x27: {  	s1 =	sld [smem:$0x3FA1]  }
0x28: {  	s2 =	sld [smem:$0x3FA2]  }
0x29: {  	s4 =	sld [smem:$0x3FA4]  }
0x2a: {  	p0 =	seq.s32 s5, $0x0;
	s5 =	sld [smem:$0x3FA5]  }
0x2b: {  	s6 =	sld [smem:$0x3FA6]  }
0x2c: {  	s7 =	sld [smem:$0x3FA7]  }
0x2d: {  	s3 =	simm.s32 $0x108;
	s8 =	sld [smem:$0x3FA8]  }
0x2e: {  	s3 =	simm.s32 @!p0 $0x1082;
	s9 =	sld [smem:$0x3FA9]  }
0x2f: {  	lr =	sadd.s32 s0, s3;
	s0 =	sld [smem:$0x3FA0]  }
0x30: {  	s3 =	sld [smem:$0x3FA3]  }
0x31: {  	[smem:$0x3FAC] =	sst s10  }
0x32: {  	s10 =	sld [smem:$0x3FAA];
	_ =	sdelay $0x3  }
0x33: {  	p0 =	seq.s32 s10, $0x1;
	s10 =	sld [smem:$0x3FAC];
	_ =	sdelay $0x3  }
0x34: {  	[smem:$0x3FAC] =	sst s10  }
0x35: {  	s10 =	sld [smem:$0x3FAB];
	_ =	sdelay $0x3  }
0x36: {  	p1 =	seq.s32 s10, $0x1;
	s10 =	sld [smem:$0x3FAC];
	_ =	sdelay $0x3  }
0x37: {  	[smem:$0x3FAC] =	sst s10  }
0x38: {  	s10 =	sld [smem:$0x3FAD]  }
0x39: {  	_ = 	snop;
	(pc) =	sbr.ind lr, $3  }
0x3a: {  	_ = 	snop  }
0x3b: {  	_ = 	snop  }
0x3c: {  	p2 =	seq.s32 s10, $0x1;
	s10 =	sld [smem:$0x3FAC]  }
0x3d: {  	_ =	shalt  }
0x3e: {  	_ =	shalt  }
0x3f: {  	_ =	shalt  }
0x40: {  	_ =	shalt  }
0x41: {  	_ =	shalt  }
0x42: {  	_ =	shalt  }
0x43: {  	_ =	shalt  }
0x44: {  	_ =	shalt  }
0x45: {  	_ =	shalt  }
0x46: {  	_ =	shalt  }
0x47: {  	_ =	shalt  }
0x48: {  	_ =	shalt  }
0x49: {  	_ =	shalt  }
0x4a: {  	_ =	shalt  }
0x4b: {  	_ =	shalt  }
0x4c: {  	_ =	shalt  }
0x4d: {  	_ =	shalt  }
0x4e: {  	_ =	shalt  }
0x4f: {  	_ =	shalt  }
0x50: {  	_ =	shalt  }
0x51: {  	_ =	shalt  }
0x52: {  	_ =	shalt  }
0x53: {  	_ =	shalt  }
0x54: {  	_ =	shalt  }
0x55: {  	_ =	shalt  }
0x56: {  	_ =	shalt  }
0x57: {  	_ =	shalt  }
0x58: {  	_ =	shalt  }
0x59: {  	_ =	shalt  }
0x5a: {  	_ =	shalt  }
0x5b: {  	_ =	shalt  }
0x5c: {  	_ =	shalt  }
0x5d: {  	_ =	shalt  }
0x5e: {  	_ =	shalt  }
0x5f: {  	_ =	shalt  }
0x60: {  	_ =	shalt  }
0x61: {  	_ =	shalt  }
0x62: {  	_ =	shalt  }
0x63: {  	_ =	shalt  }
0x64: {  	_ =	shalt  }
0x65: {  	_ =	shalt  }
0x66: {  	_ =	shalt  }
0x67: {  	_ =	shalt  }
0x68: {  	_ =	shalt  }
0x69: {  	_ =	shalt  }
0x6a: {  	_ =	shalt  }
0x6b: {  	_ =	shalt  }
0x6c: {  	_ =	shalt  }
0x6d: {  	_ =	shalt  }
0x6e: {  	_ =	shalt  }
0x6f: {  	_ =	shalt  }
0x70: {  	_ =	shalt  }
0x71: {  	_ =	shalt  }
0x72: {  	_ =	shalt  }
0x73: {  	_ =	shalt  }
0x74: {  	_ =	shalt  }
0x75: {  	_ =	shalt  }
0x76: {  	_ =	shalt  }
0x77: {  	_ =	shalt  }
0x78: {  	_ =	shalt  }
0x79: {  	_ =	shalt  }
0x7a: {  	_ =	shalt  }
0x7b: {  	_ =	shalt  }
0x7c: {  	_ =	shalt  }
0x7d: {  	_ =	shalt  }
0x7e: {  	_ =	shalt  }
0x7f: {  	_ =	shalt  }
0x80: {  	_ =	shalt  }
0x81: {  	_ =	shalt  }
0x82: {  	_ =	shalt  }
0x83: {  	_ =	shalt  }
0x84: {  	_ =	shalt  }
0x85: {  	_ =	shalt  }
0x86: {  	_ =	shalt  }
0x87: {  	_ =	shalt  }
.Lfunc_end0:
.L_simem_size_0:
called_computation.2_lowered:
.L_overlay_start_0:
0x88: {  	s2 =	sld [smem:$0x3FD9]  }
0x89: {  	s3 =	sld [smem:$0x3FFE];
	_ =	sdelay $0x1  }
0x8a: {  	s1 =	srdreg.scid  }
0x8b: {  	s0 =	sand.u32 $0x1, s1  }
0x8c: {  	s16 =	sshll.u32 s0, $0xA;
	s2 =	sadd.s32 s3, s2  }
0x8d: {  	s2 =	sadd.s32 s2, s16  }
0x8e: {  	[smem:$0x3FB8] =	sst s2  }
0x8f: {  	_ = 	snop  }
0x90: {  	(tm) =	ssettm $0x1  }
0x91: {  	s17 =	sld [smem:$0x3FFB];
	_ =	sdelay $0x3  }
0x92: {  	_ =	strace s17  }
0x93: {  	s2 =	sld [smem:$0x3FFC];
	_ =	sdelay $0x3  }
0x94: {  	_ =	strace s2  }
0x95: {  	s2 =	sld [smem:$0x3FFD];
	_ =	sdelay $0x3  }
0x96: {  	_ =	strace s2  }
0x97: {  	_ =	strace $0x8FFFFFFF  }
0x98: {  	s18 =	sld [smem:$0x3FDB];
	_ =	sdelay $0x1  }
0x99: {  	s19 =	simm.s32 $_scs_section_size  }
0x9a: {  	s4 =	simm.s32 $_size__tile_overlayer_lowered;
	s5 =	simm.s32 $_tile_overlayer_lowered  }
0x9b: {  	s22 =	simm.s32 $0x1BFF;
	s21 =	sshll.u32 s5, $0x1;
	s2 =	sadd.s32 s19, s18  }
0x9c: {  	s6 =	simm.s32 $0x0;
	s20 =	sshll.u32 s4, $0x1;
	s4 =	sadd.s32 s21, s2  }
0x9d: {  	[timem:s6], [sflag:s22] =	dma.local [hbm:s4], s20  }
0x9e: {  	_ =	swait.ge [sflag:s22], s20  }
0x9f: {  	s3 =	ssub.s32 $0x0, s20;
	[sflag:s22] =	ssyncset.done $0x0  }
0xa0: {  	[sflag:s22] =	ssyncadd.s32 s3;
	_ =	sdelay $0x1  }
0xa1: {  	s23 =	simm.s32 $0x1B8B  }
0xa2: {  	_ =	swait.ge [sflag:s23], $0x1  }
0xa3: {  	[sflag:s23] =	ssyncset.done $0x0  }
0xa4: {  	s25 =	simm.s32 $0x1B8E;
	s24 =	sld [smem:$0x3FFE];
	[sflag:s23] =	ssyncadd.s32 $0xFFFFFFFF  }
0xa5: {  	s26 =	simm.s32 $execute0_lowered;
	[smem:$0x3FD2] =	sst s25  }
0xa6: {  	s4 =	sshll.u32 s26, $0x1;
	_ =	strace $0x8000004C;
	[dreg:$0x1] =	wrdreg $0xFFFFFFFF  }
0xa7: {  	s28 =	simm.s32 $_size_execute0_lowered;
	s2 =	sadd.s32 s2, s4;
	[dreg:$0x0] =	wrdreg $0x0  }
0xa8: {  	s4 =	sshll.u32 s28, $0x1;
	[dreg:$0x2] =	wrdreg s2  }
0xa9: {  	[dreg:$0x3] =	wrdreg s4  }
0xaa: {  	[dreg:$0x4] =	wrdreg $0xC0  }
0xab: {  	_ =	task [dreg:s6], $0x5FFFF  }
0xac: {  	[dreg:$0x1] =	wrdreg $0xFFFFFFFF  }
0xad: {  	[dreg:$0x0] =	wrdreg $0x60  }
0xae: {  	[dreg:$0x2] =	wrdreg s24  }
0xaf: {  	[dreg:$0x3] =	wrdreg $0x41000  }
0xb0: {  	[dreg:$0x4] =	wrdreg $0x9  }
0xb1: {  	_ =	task.clear_ibuf [dreg:s6], $0x5FFFF;
	_ =	strace $0x9000004C  }
0xb2: {  	s29 =	simm.s32 $0x9;
	_ =	strace $0x8000004E  }
0xb3: {  	_ =	swait.ge [sflag:s29], $0x1  }
0xb4: {  	[sflag:s29] =	ssyncadd.s32 $0xFFFFFFFF  }
0xb5: {  	_ =	strace $0x9000004E  }
0xb6: {  	_ =	sfence  }
0xb7: {  	s30 =	sld [smem:$0x0];
	_ =	sdelay $0x2  }
0xb8: {  	s31 =	sshll.u32 s1, $0xD;
	s1 =	sshrl.u32 s1, $0x2  }
0xb9: {  	s3 =	sand.u32 $0x4000, s31;
	s1 =	sadd.s32 s1, s30  }
0xba: {  	s0 =	sor.u32 s3, s0;
	s1 =	sshll.u32 s1, $0x11  }
0xbb: {  	s0 =	sor.u32 s1, s0  }
0xbc: {  	s0 =	sadd.s32 $0x8F2B, s0  }
0xbd: {  	[sflag:s0] =	ssyncadd.remote.s32 $0x1  }
0xbe: {  	_ =	sfence.sel $0xFFFF  }
0xbf: {  	[dreg:$0x0] =	wrdreg $0xFFFFFFFF;
	(pc) =	sbr.abs _section_cstart, $3  }
0xc0: {  	[dreg:$0x1] =	wrdreg $0xFFFFFFFF  }
0xc1: {  	_ =	task.clear_ibuf [dreg:s6], $0x2FFFF;
	_ =	strace $0x9FFFFFFF  }
0xc2: {  	(tm) =	ssettm $0x7FFFFFFF  }
0xc3: {  	_ =	shalt  }
tec
execute0_lowered:
.L_overlay_start_1:
0x0: {  	(tag) =	ssettag $0x1  }
0x1: {  	s5 =	rddreg [dreg:$0x0]  }
0x2: {  	s2 =	rddreg [dreg:$0x1]  }
0x3: {  	s0 =	rddreg [dreg:$0x2];
	s1 =	stileid.u32  }
0x4: {  	s4 =	srdreg.scid;
	s3 =	simm.s32 $0x0;
	s12 =	simm.s32 $0x2  }
0x5: {  	s13 =	simm.s32 $0x80;
	s14 =	simm.s32 $0x100;
	s6 =	smul.u32 $0x9E0, s1  }
0x6: {  	s15 =	simm.s32 $0x1;
	s16 =	simm.s32 $0x0;
	s7 =	smul.u32 $0x13C00, s1  }
0x7: {  	s8 =	sand.u32 $0x1, s4;
	[smem:$0x7FF] =	sst s3;
	s11 =	smul.u32 $0x4F000, s1  }
0x8: {  	s4 =	sadd.s32 $0x3F400, s5;
	s31 =	sshll.u32 s1, $0x6;
	s9 =	smul.u32 $0x13C000, s8  }
0x9: {  	_ =	strace $0x8000004D;
	s28 =	ssub.s32 $0x2, s8;
	s8 =	smul.u32 $0x4F0, s8  }
0xa: {  	s10 =	sadd.s32 s6, s5;
	s26 =	sshrl.u32 s7, $0x3;
	s29 =	sshrl.u32 s28, $0x1  }
0xb: {  	s30 =	sshrl.u32 s11, $0x2;
	s7 =	sadd.s32 s7, s9;
	s6 =	sadd.s32 s26, s5  }
0xc: {  	s9 =	ssub.s32 s28, s29;
	s11 =	sadd.s32 s30, s2;
	s10 =	sadd.s32 s8, s10  }
0xd: {  	s7 =	sshrl.u32 s7, $0x3;
	s8 =	smax.u32 s9, $0x1;
	s9 =	sadd.s32 $0x4000, s10  }
0xe: {  	s10 =	sadd.s32 $0xDE00, s10;
	s11 =	sshrl.u32 s11, $0x3;
	s7 =	sadd.s32 s7, s5  }
0xf: {  	s5 =	sadd.s32 $0x17C00, s6;
	s6 =	sor.u32 $0x1C02, s31;
	s7 =	sadd.s32 $0xDDC00, s7  }
.LBB2_1:
0x10: {  	[spmem:s11], [sflag:s6] =	dma.local [hbm:s5], $0x2780  }
0x11: {  	_ =	swait.ge [sflag:s12], $0x2780  }
0x12: {  	[sflag:s12] =	ssyncset.done $0x0  }
0x13: {  	[sflag:s12] =	ssyncadd.s32 $0xFFFFD880  }
0x14: {  	s17 =	sadd.s32 $0x0, s10;
	[bflag:$0x0] =	sbarrier.arrive $0xFFFF  }
0x15: {  	[tilespmem:s3], [sflag:$0x2] =	stream.linear.gather [hbm4b:s17+s3], $0x80, $0x38;
	[tilespmem:$0x17D00] =	vst v63  }
0x16: {  	_ =	swait.ge [sflag:s12], $0x80  }
0x17: {  	[sflag:s12] =	ssyncset.done $0x0  }
0x18: {  	s31 =	sadd.s32 $0x0, s9;
	[sflag:s12] =	ssyncadd.s32 $0xFFFFFF80  }
0x19: {  	[tilespmem:s13], [sflag:$0x2] =	stream.linear.gather [hbm4b:s31+s3], $0x80, $0x38;
	[tilespmem:$0x17D00] =	vst v63  }
0x1a: {  	_ =	swait.ge [sflag:s12], $0x80  }
0x1b: {  	[sflag:s12] =	ssyncset.done $0x0  }
0x1c: {  	[sflag:s12] =	ssyncadd.s32 $0xFFFFFF80  }
0x1d: {  	[tilespmem:s14], [sflag:$0x1] =	stream.indirect.gather [hbm4b:s4+s13], $0x80, s3, s13, $0xb8;
	[tilespmem:$0x17D00] =	vst v63  }
0x1e: {  	_ =	swait.ge [sflag:s15], $0x4000  }
0x1f: {  	[sflag:s15] =	ssyncset.done $0x0  }
0x20: {  	[sflag:s15] =	ssyncadd.s32 $0xFFFFC000  }
0x21: {  	[spmem:s2] =	stream.indirect.scatter.add.f32 [tilespmem:s14], [sflag:$0x2], $0x80, s13, s13, $0xb8;
	[tilespmem:$0x17D00] =	vst v63  }
0x22: {  	_ =	swait.ge [sflag:s12], $0x4000  }
0x23: {  	s18 =	simm.s32 $0x20;
	s17 =	simm.s32 $0x10;
	[sflag:s12] =	ssyncset.done $0x0  }
.LBB2_2:
0x24: {  	s19 =	sadd.s32 s17, s10  }
0x25: {  	[sflag:s12] =	ssyncadd.s32 $0xFFFFC000;
	s20 =	smov.u32 s18;
	s21 =	sadd.s32 $0x10, s18  }
0x26: {  	[tilespmem:s3], [sflag:$0x2] =	stream.linear.gather [hbm4b:s19+s3], $0x80, $0x38;
	[tilespmem:$0x17D00] =	vst v63  }
0x27: {  	p0 =	sne.s32 s18, $0x4E0;
	_ =	swait.ge [sflag:s12], $0x80  }
0x28: {  	[sflag:s12] =	ssyncset.done $0x0  }
0x29: {  	s18 =	sadd.s32 s17, s9;
	s17 =	smov.u32 s20;
	[sflag:s12] =	ssyncadd.s32 $0xFFFFFF80  }
0x2a: {  	[tilespmem:s13], [sflag:$0x2] =	stream.linear.gather [hbm4b:s18+s3], $0x80, $0x38;
	[tilespmem:$0x17D00] =	vst v63  }
0x2b: {  	_ =	swait.ge [sflag:s12], $0x80  }
0x2c: {  	[sflag:s12] =	ssyncset.done $0x0  }
0x2d: {  	[sflag:s12] =	ssyncadd.s32 $0xFFFFFF80  }
0x2e: {  	[tilespmem:s14], [sflag:$0x1] =	stream.indirect.gather [hbm4b:s4+s13], $0x80, s3, s13, $0xb8;
	[tilespmem:$0x17D00] =	vst v63  }
0x2f: {  	_ =	swait.ge [sflag:s15], $0x4000  }
.Ltmp0:
0x30: {  	[sflag:s15] =	ssyncset.done $0x0;
	(pc) =	sbr.rel @p0 .LBB2_2-.Ltmp0, $4  }
0x31: {  	[sflag:s15] =	ssyncadd.s32 $0xFFFFC000  }
0x32: {  	[spmem:s2] =	stream.indirect.scatter.add.f32 [tilespmem:s14], [sflag:$0x2], $0x80, s13, s13, $0xb8;
	[tilespmem:$0x17D00] =	vst v63  }
0x33: {  	_ =	swait.ge [sflag:s12], $0x4000  }
0x34: {  	s18 =	smov.u32 s21;
	[sflag:s12] =	ssyncset.done $0x0  }
0x35: {  	s18 =	sadd.s32 s17, s10;
	[sflag:s12] =	ssyncadd.s32 $0xFFFFC000  }
0x36: {  	[tilespmem:s3], [sflag:$0x2] =	stream.linear.gather [hbm4b:s18+s3], $0x80, $0x38;
	[tilespmem:$0x17D00] =	vst v63  }
0x37: {  	_ =	swait.ge [sflag:s12], $0x80  }
0x38: {  	[sflag:s12] =	ssyncset.done $0x0  }
0x39: {  	s31 =	sadd.s32 s17, s9;
	[sflag:s12] =	ssyncadd.s32 $0xFFFFFF80  }
0x3a: {  	[tilespmem:s13], [sflag:$0x2] =	stream.linear.gather [hbm4b:s31+s3], $0x80, $0x38;
	[tilespmem:$0x17D00] =	vst v63  }
0x3b: {  	_ =	swait.ge [sflag:s12], $0x80  }
0x3c: {  	[sflag:s12] =	ssyncset.done $0x0  }
0x3d: {  	[sflag:s12] =	ssyncadd.s32 $0xFFFFFF80  }
0x3e: {  	[tilespmem:s14], [sflag:$0x1] =	stream.indirect.gather [hbm4b:s4+s13], $0x80, s3, s13, $0xb8;
	[tilespmem:$0x17D00] =	vst v63  }
0x3f: {  	_ =	swait.ge [sflag:s15], $0x4000  }
0x40: {  	[sflag:s15] =	ssyncset.done $0x0  }
0x41: {  	[sflag:s15] =	ssyncadd.s32 $0xFFFFC000  }
0x42: {  	[spmem:s2] =	stream.indirect.scatter.add.f32 [tilespmem:s14], [sflag:$0x2], $0x80, s13, s13, $0xb8;
	[tilespmem:$0x17D00] =	vst v63  }
0x43: {  	_ =	swait.ge [sflag:s12], $0x4000  }
0x44: {  	s16 =	sadd.s32 $0x1, s16;
	[sflag:s12] =	ssyncset.done $0x0  }
0x45: {  	p0 =	sne.s32 s16, s8;
	[sflag:s12] =	ssyncadd.s32 $0xFFFFC000  }
.Ltmp1:
0x46: {  	[bflag:$0x0] =	sbarrier.arrive $0xFFFF;
	(pc) =	sbr.rel @p0 .LBB2_1-.Ltmp1, $4  }
0x47: {  	[hbm:s7], [sflag:s6] =	dma.local [spmem:s11], $0x2780  }
0x48: {  	_ =	swait.ge [sflag:s12], $0x2780  }
0x49: {  	[sflag:s12] =	ssyncset.done $0x0  }
0x4a: {  	[sflag:s12] =	ssyncadd.s32 $0xFFFFD880  }
0x4b: {  	_ =	sfence.sel $0x180000  }
0x4c: {  	[bflag:$0x0] =	sbarrier.arrive $0xFFFF  }
0x4d: {  	p0 =	sne.s32 s1, $0x0;
	_ =	strace $0x9000004D  }
0x4e: {  	s0 =	sadd.s32 @!p0 $0x100000, s0;
	[bflag:$0x2] =	sbarrier.arrive $0xFFFF  }
0x4f: {  	[sflag:s0] =	ssyncadd.tile.s32 @!p0 $0x1;
	_ =	shalt  }
.Lfunc_end2:
_tile_overlayer_lowered:
.L_overlay_start_2:
0x50: {  	(tag) =	ssettag $0x2  }
0x51: {  	s0 =	rddreg [dreg:$0x0];
	s2 =	stileid.u32  }
0x52: {  	s1 =	rddreg [dreg:$0x1];
	p0 =	sne.s32 s2, $0x0  }
0x53: {  	s3 =	rddreg [dreg:$0x2];
	[bflag:$0x3] =	sbarrier.arrive $0xFFFF;
	s2 =	simm.s32 @!p0 $0x1C02  }
0x54: {  	[timem:s3], [sflag:s2] =	dma.local @!p0 [hbm:s0], s1  }
0x55: {  	s0 =	simm.s32 @!p0 $0x2  }
0x56: {  	_ =	swait.ge @!p0 [sflag:s0], s1  }
0x57: {  	s1 =	ssub.s32 @!p0 $0x0, s1;
	[sflag:s0] =	ssyncset.done @!p0 $0x0  }
0x58: {  	[sflag:s0] =	ssyncadd.s32 @!p0 s1  }
0x59: {  	[bflag:$0x3] =	sbarrier.arrive $0xFFFF  }
0x5a: {  	_ =	shalt  }

// kernel: kernel.20.cloned.1.call-start
scs
__scs_entry_jumppad:
0x0: {  	(pc) =	sbr.rel $0x88, $3  }
0x1: {  	(tag) =	ssettag $0x0;
	lr =	simm.s32 $0x1  }
0x2: {  	[smem:$0x3F91] =	sst lr;
	_ =	strace $0xD0000000  }
0x3: {  	_ = 	snop  }
0x4: {  	_ = 	snop  }
0x5: {  	_ = 	snop  }
0x6: {  	_ = 	snop  }
0x7: {  	_ = 	snop  }
__scs_overlays_trampoline_lowered:
0x8: {  	[smem:$0x3FA0] =	sst s0  }
0x9: {  	[smem:$0x3FA1] =	sst s1  }
0xa: {  	[smem:$0x3FA2] =	sst s2  }
0xb: {  	[smem:$0x3FA3] =	sst s3  }
0xc: {  	[smem:$0x3FA4] =	sst s4  }
0xd: {  	[smem:$0x3FA5] =	sst s5  }
0xe: {  	[smem:$0x3FA6] =	sst s6  }
0xf: {  	[smem:$0x3FA7] =	sst s7  }
0x10: {  	[smem:$0x3FA8] =	sst s8  }
0x11: {  	[smem:$0x3FA9] =	sst s9;
	s0 =	simm.s32 @!p0 $0x0  }
0x12: {  	s1 =	sld [smem:$0x3F8F];
	s0 =	simm.s32 @p0 $0x1  }
0x13: {  	[smem:$0x3FAA] =	sst s0;
	s0 =	simm.s32 @!p1 $0x0  }
0x14: {  	s2 =	sld [smem:$0x3F8E];
	s0 =	simm.s32 @p1 $0x1  }
0x15: {  	[smem:$0x3FAB] =	sst s0;
	s0 =	simm.s32 @!p2 $0x0  }
0x16: {  	s3 =	sld [smem:$0x3FDB];
	s0 =	simm.s32 @p2 $0x1  }
0x17: {  	s4 =	simm.s32 $0x1BF5;
	[smem:$0x3FAD] =	sst s0  }
0x18: {  	s0 =	sld [smem:$0x3F90];
	_ =	swait.ge [sflag:s4], $0x0  }
0x19: {  	s7 =	sld [smem:$0x3F91]  }
0x1a: {  	s8 =	sadd.s32 $0xFFFFE003, lr  }
0x1b: {  	s9 =	sadd.s32 $0xFFFFFEF7, lr;
	s5 =	simm.s32 $0xFFFFFFFF;
	p2 =	slt.u32 s8, $0xFFFFF086  }
0x1c: {  	p1 =	slt.u32 s9, $0xF7A;
	s5 =	simm.s32 @!p2 $0x0  }
0x1d: {  	s5 =	simm.s32 @p1 $0x1;
	p0 =	seq.s32 s7, s2  }
0x1e: {  	s7 =	smul.u32 @!p0 $0xF7A, s2;
	p2 =	seq.s32 @!p0 s5, $0x0  }
0x1f: {  	s9 =	smul.u32 $0xF7A, s1;
	s8 =	simm.s32 @!p0 $0x1BF5;
	p2 =	por !p2, p0  }
0x20: {  	[sflag:s8] =	ssyncset.s32 @!p0 $0xFFFFF086;
	s6 =	sadd.s32 @!p0 s3, s7;
	s7 =	simm.s32 @!p0 $0x108  }
0x21: {  	s3 =	sadd.s32 s3, s9;
	s6 =	sadd.s32 @!p0 $0x88, s6;
	s7 =	simm.s32 @p2 $0x1082  }
0x22: {  	[simem:s7], [sflag:s8] =	dma.local @!p0 [hbm:s6], $0xF7A  }
0x23: {  	s9 =	sor.u32 $0xD0000000, s2;
	s6 =	simm.s32 $0x108;
	_ =	swait.ge @!p0 [sflag:s8], $0x0  }
0x24: {  	s3 =	sadd.s32 $0x88, s3;
	s6 =	simm.s32 @!p1 $0x1082;
	[sflag:s4] =	ssyncset.s32 $0xFFFFF086  }
0x25: {  	[simem:s6], [sflag:s4] =	dma.local [hbm:s3], $0xF7A  }
0x26: {  	[smem:$0x3F91] =	sst s1;
	(tag) =	ssettag s2;
	_ =	strace s9  }
0x27: {  	s1 =	sld [smem:$0x3FA1]  }
0x28: {  	s2 =	sld [smem:$0x3FA2]  }
0x29: {  	s4 =	sld [smem:$0x3FA4]  }
0x2a: {  	p0 =	seq.s32 s5, $0x0;
	s5 =	sld [smem:$0x3FA5]  }
0x2b: {  	s6 =	sld [smem:$0x3FA6]  }
0x2c: {  	s7 =	sld [smem:$0x3FA7]  }
0x2d: {  	s3 =	simm.s32 $0x108;
	s8 =	sld [smem:$0x3FA8]  }
0x2e: {  	s3 =	simm.s32 @!p0 $0x1082;
	s9 =	sld [smem:$0x3FA9]  }
0x2f: {  	lr =	sadd.s32 s0, s3;
	s0 =	sld [smem:$0x3FA0]  }
0x30: {  	s3 =	sld [smem:$0x3FA3]  }
0x31: {  	[smem:$0x3FAC] =	sst s10  }
0x32: {  	s10 =	sld [smem:$0x3FAA];
	_ =	sdelay $0x3  }
0x33: {  	p0 =	seq.s32 s10, $0x1;
	s10 =	sld [smem:$0x3FAC];
	_ =	sdelay $0x3  }
0x34: {  	[smem:$0x3FAC] =	sst s10  }
0x35: {  	s10 =	sld [smem:$0x3FAB];
	_ =	sdelay $0x3  }
0x36: {  	p1 =	seq.s32 s10, $0x1;
	s10 =	sld [smem:$0x3FAC];
	_ =	sdelay $0x3  }
0x37: {  	[smem:$0x3FAC] =	sst s10  }
0x38: {  	s10 =	sld [smem:$0x3FAD]  }
0x39: {  	_ = 	snop;
	(pc) =	sbr.ind lr, $3  }
0x3a: {  	_ = 	snop  }
0x3b: {  	_ = 	snop  }
0x3c: {  	p2 =	seq.s32 s10, $0x1;
	s10 =	sld [smem:$0x3FAC]  }
0x3d: {  	_ =	shalt  }
0x3e: {  	_ =	shalt  }
0x3f: {  	_ =	shalt  }
0x40: {  	_ =	shalt  }
0x41: {  	_ =	shalt  }
0x42: {  	_ =	shalt  }
0x43: {  	_ =	shalt  }
0x44: {  	_ =	shalt  }
0x45: {  	_ =	shalt  }
0x46: {  	_ =	shalt  }
0x47: {  	_ =	shalt  }
0x48: {  	_ =	shalt  }
0x49: {  	_ =	shalt  }
0x4a: {  	_ =	shalt  }
0x4b: {  	_ =	shalt  }
0x4c: {  	_ =	shalt  }
0x4d: {  	_ =	shalt  }
0x4e: {  	_ =	shalt  }
0x4f: {  	_ =	shalt  }
0x50: {  	_ =	shalt  }
0x51: {  	_ =	shalt  }
0x52: {  	_ =	shalt  }
0x53: {  	_ =	shalt  }
0x54: {  	_ =	shalt  }
0x55: {  	_ =	shalt  }
0x56: {  	_ =	shalt  }
0x57: {  	_ =	shalt  }
0x58: {  	_ =	shalt  }
0x59: {  	_ =	shalt  }
0x5a: {  	_ =	shalt  }
0x5b: {  	_ =	shalt  }
0x5c: {  	_ =	shalt  }
0x5d: {  	_ =	shalt  }
0x5e: {  	_ =	shalt  }
0x5f: {  	_ =	shalt  }
0x60: {  	_ =	shalt  }
0x61: {  	_ =	shalt  }
0x62: {  	_ =	shalt  }
0x63: {  	_ =	shalt  }
0x64: {  	_ =	shalt  }
0x65: {  	_ =	shalt  }
0x66: {  	_ =	shalt  }
0x67: {  	_ =	shalt  }
0x68: {  	_ =	shalt  }
0x69: {  	_ =	shalt  }
0x6a: {  	_ =	shalt  }
0x6b: {  	_ =	shalt  }
0x6c: {  	_ =	shalt  }
0x6d: {  	_ =	shalt  }
0x6e: {  	_ =	shalt  }
0x6f: {  	_ =	shalt  }
0x70: {  	_ =	shalt  }
0x71: {  	_ =	shalt  }
0x72: {  	_ =	shalt  }
0x73: {  	_ =	shalt  }
0x74: {  	_ =	shalt  }
0x75: {  	_ =	shalt  }
0x76: {  	_ =	shalt  }
0x77: {  	_ =	shalt  }
0x78: {  	_ =	shalt  }
0x79: {  	_ =	shalt  }
0x7a: {  	_ =	shalt  }
0x7b: {  	_ =	shalt  }
0x7c: {  	_ =	shalt  }
0x7d: {  	_ =	shalt  }
0x7e: {  	_ =	shalt  }
0x7f: {  	_ =	shalt  }
0x80: {  	_ =	shalt  }
0x81: {  	_ =	shalt  }
0x82: {  	_ =	shalt  }
0x83: {  	_ =	shalt  }
0x84: {  	_ =	shalt  }
0x85: {  	_ =	shalt  }
0x86: {  	_ =	shalt  }
0x87: {  	_ =	shalt  }
.Lfunc_end0:
.L_simem_size_0:
called_computation.3_lowered:
.L_overlay_start_0:
0x88: {  	s2 =	sld [smem:$0x3FD9]  }
0x89: {  	s3 =	sld [smem:$0x3FFE];
	_ =	sdelay $0x1  }
0x8a: {  	s1 =	srdreg.scid  }
0x8b: {  	s0 =	sand.u32 $0x1, s1  }
0x8c: {  	s16 =	sshll.u32 s0, $0xA;
	s2 =	sadd.s32 s3, s2  }
0x8d: {  	s2 =	sadd.s32 s2, s16  }
0x8e: {  	[smem:$0x3FB8] =	sst s2  }
0x8f: {  	_ = 	snop  }
0x90: {  	(tm) =	ssettm $0x1  }
0x91: {  	s17 =	sld [smem:$0x3FFB];
	_ =	sdelay $0x3  }
0x92: {  	_ =	strace s17  }
0x93: {  	s2 =	sld [smem:$0x3FFC];
	_ =	sdelay $0x3  }
0x94: {  	_ =	strace s2  }
0x95: {  	s2 =	sld [smem:$0x3FFD];
	_ =	sdelay $0x3  }
0x96: {  	_ =	strace s2  }
0x97: {  	_ =	strace $0x8FFFFFFF  }
0x98: {  	s18 =	sld [smem:$0x3FDB];
	_ =	sdelay $0x1  }
0x99: {  	s19 =	simm.s32 $_scs_section_size  }
0x9a: {  	s4 =	simm.s32 $_size__tile_overlayer_lowered;
	s5 =	simm.s32 $_tile_overlayer_lowered  }
0x9b: {  	s22 =	simm.s32 $0x1BFF;
	s21 =	sshll.u32 s5, $0x1;
	s2 =	sadd.s32 s19, s18  }
0x9c: {  	s6 =	simm.s32 $0x0;
	s20 =	sshll.u32 s4, $0x1;
	s4 =	sadd.s32 s21, s2  }
0x9d: {  	[timem:s6], [sflag:s22] =	dma.local [hbm:s4], s20  }
0x9e: {  	_ =	swait.ge [sflag:s22], s20  }
0x9f: {  	s3 =	ssub.s32 $0x0, s20;
	[sflag:s22] =	ssyncset.done $0x0  }
0xa0: {  	[sflag:s22] =	ssyncadd.s32 s3;
	_ =	sdelay $0x1  }
0xa1: {  	s23 =	simm.s32 $0x1B8B  }
0xa2: {  	_ =	swait.ge [sflag:s23], $0x1  }
0xa3: {  	[sflag:s23] =	ssyncset.done $0x0  }
0xa4: {  	s25 =	simm.s32 $0x1B8E;
	s24 =	sld [smem:$0x3FFE];
	[sflag:s23] =	ssyncadd.s32 $0xFFFFFFFF  }
0xa5: {  	s26 =	simm.s32 $execute0_lowered;
	[smem:$0x3FD2] =	sst s25  }
0xa6: {  	s4 =	sshll.u32 s26, $0x1;
	_ =	strace $0x8000004F;
	[dreg:$0x1] =	wrdreg $0xFFFFFFFF  }
0xa7: {  	s28 =	simm.s32 $_size_execute0_lowered;
	s2 =	sadd.s32 s2, s4;
	[dreg:$0x0] =	wrdreg $0x0  }
0xa8: {  	s4 =	sshll.u32 s28, $0x1;
	[dreg:$0x2] =	wrdreg s2  }
0xa9: {  	[dreg:$0x3] =	wrdreg s4  }
0xaa: {  	[dreg:$0x4] =	wrdreg $0xC0  }
0xab: {  	_ =	task [dreg:s6], $0x5FFFF  }
0xac: {  	[dreg:$0x1] =	wrdreg $0xFFFFFFFF  }
0xad: {  	[dreg:$0x0] =	wrdreg $0x60  }
0xae: {  	[dreg:$0x2] =	wrdreg s24  }
0xaf: {  	[dreg:$0x3] =	wrdreg $0x41000  }
0xb0: {  	[dreg:$0x4] =	wrdreg $0x9  }
0xb1: {  	_ =	task.clear_ibuf [dreg:s6], $0x5FFFF;
	_ =	strace $0x9000004F  }
0xb2: {  	s29 =	simm.s32 $0x9;
	_ =	strace $0x80000051  }
0xb3: {  	_ =	swait.ge [sflag:s29], $0x1  }
0xb4: {  	[sflag:s29] =	ssyncadd.s32 $0xFFFFFFFF  }
0xb5: {  	_ =	strace $0x90000051  }
0xb6: {  	_ =	sfence  }
0xb7: {  	s30 =	sld [smem:$0x0];
	_ =	sdelay $0x2  }
0xb8: {  	s31 =	sshll.u32 s1, $0xD;
	s1 =	sshrl.u32 s1, $0x2  }
0xb9: {  	s3 =	sand.u32 $0x4000, s31;
	s1 =	sadd.s32 s1, s30  }
0xba: {  	s0 =	sor.u32 s3, s0;
	s1 =	sshll.u32 s1, $0x11  }
0xbb: {  	s0 =	sor.u32 s1, s0  }
0xbc: {  	s0 =	sadd.s32 $0x8F2B, s0  }
0xbd: {  	[sflag:s0] =	ssyncadd.remote.s32 $0x1  }
0xbe: {  	_ =	sfence.sel $0xFFFF  }
0xbf: {  	[dreg:$0x0] =	wrdreg $0xFFFFFFFF;
	(pc) =	sbr.abs _section_cstart, $3  }
0xc0: {  	[dreg:$0x1] =	wrdreg $0xFFFFFFFF  }
0xc1: {  	_ =	task.clear_ibuf [dreg:s6], $0x2FFFF;
	_ =	strace $0x9FFFFFFF  }
0xc2: {  	(tm) =	ssettm $0x7FFFFFFF  }
0xc3: {  	_ =	shalt  }
tec
execute0_lowered:
.L_overlay_start_1:
0x0: {  	(tag) =	ssettag $0x1  }
0x1: {  	s5 =	rddreg [dreg:$0x0]  }
0x2: {  	s2 =	rddreg [dreg:$0x1]  }
0x3: {  	s0 =	rddreg [dreg:$0x2];
	s1 =	stileid.u32  }
0x4: {  	s4 =	srdreg.scid;
	s3 =	simm.s32 $0x0;
	s12 =	simm.s32 $0x2  }
0x5: {  	s13 =	simm.s32 $0x80;
	s14 =	simm.s32 $0x100;
	s6 =	smul.u32 $0x9E0, s1  }
0x6: {  	s15 =	simm.s32 $0x1;
	s16 =	simm.s32 $0x0;
	s7 =	smul.u32 $0x13C00, s1  }
0x7: {  	s8 =	sand.u32 $0x1, s4;
	[smem:$0x7FF] =	sst s3;
	s11 =	smul.u32 $0x4F000, s1  }
0x8: {  	s4 =	sadd.s32 $0x3F400, s5;
	s31 =	sshll.u32 s1, $0x6;
	s9 =	smul.u32 $0x13C000, s8  }
0x9: {  	_ =	strace $0x80000050;
	s28 =	ssub.s32 $0x2, s8;
	s8 =	smul.u32 $0x4F0, s8  }
0xa: {  	s10 =	sadd.s32 s6, s5;
	s26 =	sshrl.u32 s7, $0x3;
	s29 =	sshrl.u32 s28, $0x1  }
0xb: {  	s30 =	sshrl.u32 s11, $0x2;
	s7 =	sadd.s32 s7, s9;
	s6 =	sadd.s32 s26, s5  }
0xc: {  	s9 =	ssub.s32 s28, s29;
	s11 =	sadd.s32 s30, s2;
	s10 =	sadd.s32 s8, s10  }
0xd: {  	s7 =	sshrl.u32 s7, $0x3;
	s8 =	smax.u32 s9, $0x1;
	s9 =	sadd.s32 $0x4000, s10  }
0xe: {  	s10 =	sadd.s32 $0xDE00, s10;
	s11 =	sshrl.u32 s11, $0x3;
	s7 =	sadd.s32 s7, s5  }
0xf: {  	s5 =	sadd.s32 $0x17C00, s6;
	s6 =	sor.u32 $0x1C02, s31;
	s7 =	sadd.s32 $0xDDC00, s7  }
.LBB2_1:
0x10: {  	[spmem:s11], [sflag:s6] =	dma.local [hbm:s5], $0x2780  }
0x11: {  	_ =	swait.ge [sflag:s12], $0x2780  }
0x12: {  	[sflag:s12] =	ssyncset.done $0x0  }
0x13: {  	[sflag:s12] =	ssyncadd.s32 $0xFFFFD880  }
0x14: {  	s17 =	sadd.s32 $0x0, s10;
	[bflag:$0x0] =	sbarrier.arrive $0xFFFF  }
0x15: {  	[tilespmem:s3], [sflag:$0x2] =	stream.linear.gather [hbm4b:s17+s3], $0x80, $0x38;
	[tilespmem:$0x17D00] =	vst v63  }
0x16: {  	_ =	swait.ge [sflag:s12], $0x80  }
0x17: {  	[sflag:s12] =	ssyncset.done $0x0  }
0x18: {  	s31 =	sadd.s32 $0x0, s9;
	[sflag:s12] =	ssyncadd.s32 $0xFFFFFF80  }
0x19: {  	[tilespmem:s13], [sflag:$0x2] =	stream.linear.gather [hbm4b:s31+s3], $0x80, $0x38;
	[tilespmem:$0x17D00] =	vst v63  }
0x1a: {  	_ =	swait.ge [sflag:s12], $0x80  }
0x1b: {  	[sflag:s12] =	ssyncset.done $0x0  }
0x1c: {  	[sflag:s12] =	ssyncadd.s32 $0xFFFFFF80  }
0x1d: {  	[tilespmem:s14], [sflag:$0x1] =	stream.indirect.gather [hbm4b:s4+s13], $0x80, s3, s13, $0xb8;
	[tilespmem:$0x17D00] =	vst v63  }
0x1e: {  	_ =	swait.ge [sflag:s15], $0x4000  }
0x1f: {  	[sflag:s15] =	ssyncset.done $0x0  }
0x20: {  	[sflag:s15] =	ssyncadd.s32 $0xFFFFC000  }
0x21: {  	[spmem:s2] =	stream.indirect.scatter.add.f32 [tilespmem:s14], [sflag:$0x2], $0x80, s13, s13, $0xb8;
	[tilespmem:$0x17D00] =	vst v63  }
0x22: {  	_ =	swait.ge [sflag:s12], $0x4000  }
0x23: {  	s18 =	simm.s32 $0x20;
	s17 =	simm.s32 $0x10;
	[sflag:s12] =	ssyncset.done $0x0  }
.LBB2_2:
0x24: {  	s19 =	sadd.s32 s17, s10  }
0x25: {  	[sflag:s12] =	ssyncadd.s32 $0xFFFFC000;
	s20 =	smov.u32 s18;
	s21 =	sadd.s32 $0x10, s18  }
0x26: {  	[tilespmem:s3], [sflag:$0x2] =	stream.linear.gather [hbm4b:s19+s3], $0x80, $0x38;
	[tilespmem:$0x17D00] =	vst v63  }
0x27: {  	p0 =	sne.s32 s18, $0x4E0;
	_ =	swait.ge [sflag:s12], $0x80  }
0x28: {  	[sflag:s12] =	ssyncset.done $0x0  }
0x29: {  	s18 =	sadd.s32 s17, s9;
	s17 =	smov.u32 s20;
	[sflag:s12] =	ssyncadd.s32 $0xFFFFFF80  }
0x2a: {  	[tilespmem:s13], [sflag:$0x2] =	stream.linear.gather [hbm4b:s18+s3], $0x80, $0x38;
	[tilespmem:$0x17D00] =	vst v63  }
0x2b: {  	_ =	swait.ge [sflag:s12], $0x80  }
0x2c: {  	[sflag:s12] =	ssyncset.done $0x0  }
0x2d: {  	[sflag:s12] =	ssyncadd.s32 $0xFFFFFF80  }
0x2e: {  	[tilespmem:s14], [sflag:$0x1] =	stream.indirect.gather [hbm4b:s4+s13], $0x80, s3, s13, $0xb8;
	[tilespmem:$0x17D00] =	vst v63  }
0x2f: {  	_ =	swait.ge [sflag:s15], $0x4000  }
.Ltmp0:
0x30: {  	[sflag:s15] =	ssyncset.done $0x0;
	(pc) =	sbr.rel @p0 .LBB2_2-.Ltmp0, $4  }
0x31: {  	[sflag:s15] =	ssyncadd.s32 $0xFFFFC000  }
0x32: {  	[spmem:s2] =	stream.indirect.scatter.add.f32 [tilespmem:s14], [sflag:$0x2], $0x80, s13, s13, $0xb8;
	[tilespmem:$0x17D00] =	vst v63  }
0x33: {  	_ =	swait.ge [sflag:s12], $0x4000  }
0x34: {  	s18 =	smov.u32 s21;
	[sflag:s12] =	ssyncset.done $0x0  }
0x35: {  	s18 =	sadd.s32 s17, s10;
	[sflag:s12] =	ssyncadd.s32 $0xFFFFC000  }
0x36: {  	[tilespmem:s3], [sflag:$0x2] =	stream.linear.gather [hbm4b:s18+s3], $0x80, $0x38;
	[tilespmem:$0x17D00] =	vst v63  }
0x37: {  	_ =	swait.ge [sflag:s12], $0x80  }
0x38: {  	[sflag:s12] =	ssyncset.done $0x0  }
0x39: {  	s31 =	sadd.s32 s17, s9;
	[sflag:s12] =	ssyncadd.s32 $0xFFFFFF80  }
0x3a: {  	[tilespmem:s13], [sflag:$0x2] =	stream.linear.gather [hbm4b:s31+s3], $0x80, $0x38;
	[tilespmem:$0x17D00] =	vst v63  }
0x3b: {  	_ =	swait.ge [sflag:s12], $0x80  }
0x3c: {  	[sflag:s12] =	ssyncset.done $0x0  }
0x3d: {  	[sflag:s12] =	ssyncadd.s32 $0xFFFFFF80  }
0x3e: {  	[tilespmem:s14], [sflag:$0x1] =	stream.indirect.gather [hbm4b:s4+s13], $0x80, s3, s13, $0xb8;
	[tilespmem:$0x17D00] =	vst v63  }
0x3f: {  	_ =	swait.ge [sflag:s15], $0x4000  }
0x40: {  	[sflag:s15] =	ssyncset.done $0x0  }
0x41: {  	[sflag:s15] =	ssyncadd.s32 $0xFFFFC000  }
0x42: {  	[spmem:s2] =	stream.indirect.scatter.add.f32 [tilespmem:s14], [sflag:$0x2], $0x80, s13, s13, $0xb8;
	[tilespmem:$0x17D00] =	vst v63  }
0x43: {  	_ =	swait.ge [sflag:s12], $0x4000  }
0x44: {  	s16 =	sadd.s32 $0x1, s16;
	[sflag:s12] =	ssyncset.done $0x0  }
0x45: {  	p0 =	sne.s32 s16, s8;
	[sflag:s12] =	ssyncadd.s32 $0xFFFFC000  }
.Ltmp1:
0x46: {  	[bflag:$0x0] =	sbarrier.arrive $0xFFFF;
	(pc) =	sbr.rel @p0 .LBB2_1-.Ltmp1, $4  }
0x47: {  	[hbm:s7], [sflag:s6] =	dma.local [spmem:s11], $0x2780  }
0x48: {  	_ =	swait.ge [sflag:s12], $0x2780  }
0x49: {  	[sflag:s12] =	ssyncset.done $0x0  }
0x4a: {  	[sflag:s12] =	ssyncadd.s32 $0xFFFFD880  }
0x4b: {  	_ =	sfence.sel $0x180000  }
0x4c: {  	[bflag:$0x0] =	sbarrier.arrive $0xFFFF  }
0x4d: {  	p0 =	sne.s32 s1, $0x0;
	_ =	strace $0x90000050  }
0x4e: {  	s0 =	sadd.s32 @!p0 $0x100000, s0;
	[bflag:$0x2] =	sbarrier.arrive $0xFFFF  }
0x4f: {  	[sflag:s0] =	ssyncadd.tile.s32 @!p0 $0x1;
	_ =	shalt  }
.Lfunc_end2:
_tile_overlayer_lowered:
.L_overlay_start_2:
0x50: {  	(tag) =	ssettag $0x2  }
0x51: {  	s0 =	rddreg [dreg:$0x0];
	s2 =	stileid.u32  }
0x52: {  	s1 =	rddreg [dreg:$0x1];
	p0 =	sne.s32 s2, $0x0  }
0x53: {  	s3 =	rddreg [dreg:$0x2];
	[bflag:$0x3] =	sbarrier.arrive $0xFFFF;
	s2 =	simm.s32 @!p0 $0x1C02  }
0x54: {  	[timem:s3], [sflag:s2] =	dma.local @!p0 [hbm:s0], s1  }
0x55: {  	s0 =	simm.s32 @!p0 $0x2  }
0x56: {  	_ =	swait.ge @!p0 [sflag:s0], s1  }
0x57: {  	s1 =	ssub.s32 @!p0 $0x0, s1;
	[sflag:s0] =	ssyncset.done @!p0 $0x0  }
0x58: {  	[sflag:s0] =	ssyncadd.s32 @!p0 s1  }
0x59: {  	[bflag:$0x3] =	sbarrier.arrive $0xFFFF  }
0x5a: {  	_ =	shalt  }

// kernel: kernel.23.cloned.1.call-start
scs
__scs_entry_jumppad:
0x0: {  	(pc) =	sbr.rel $0x88, $3  }
0x1: {  	(tag) =	ssettag $0x0;
	lr =	simm.s32 $0x1  }
0x2: {  	[smem:$0x3F91] =	sst lr;
	_ =	strace $0xD0000000  }
0x3: {  	_ = 	snop  }
0x4: {  	_ = 	snop  }
0x5: {  	_ = 	snop  }
0x6: {  	_ = 	snop  }
0x7: {  	_ = 	snop  }
__scs_overlays_trampoline_lowered:
0x8: {  	[smem:$0x3FA0] =	sst s0  }
0x9: {  	[smem:$0x3FA1] =	sst s1  }
0xa: {  	[smem:$0x3FA2] =	sst s2  }
0xb: {  	[smem:$0x3FA3] =	sst s3  }
0xc: {  	[smem:$0x3FA4] =	sst s4  }
0xd: {  	[smem:$0x3FA5] =	sst s5  }
0xe: {  	[smem:$0x3FA6] =	sst s6  }
0xf: {  	[smem:$0x3FA7] =	sst s7  }
0x10: {  	[smem:$0x3FA8] =	sst s8  }
0x11: {  	[smem:$0x3FA9] =	sst s9;
	s0 =	simm.s32 @!p0 $0x0  }
0x12: {  	s1 =	sld [smem:$0x3F8F];
	s0 =	simm.s32 @p0 $0x1  }
0x13: {  	[smem:$0x3FAA] =	sst s0;
	s0 =	simm.s32 @!p1 $0x0  }
0x14: {  	s2 =	sld [smem:$0x3F8E];
	s0 =	simm.s32 @p1 $0x1  }
0x15: {  	[smem:$0x3FAB] =	sst s0;
	s0 =	simm.s32 @!p2 $0x0  }
0x16: {  	s3 =	sld [smem:$0x3FDB];
	s0 =	simm.s32 @p2 $0x1  }
0x17: {  	s4 =	simm.s32 $0x1BF5;
	[smem:$0x3FAD] =	sst s0  }
0x18: {  	s0 =	sld [smem:$0x3F90];
	_ =	swait.ge [sflag:s4], $0x0  }
0x19: {  	s7 =	sld [smem:$0x3F91]  }
0x1a: {  	s8 =	sadd.s32 $0xFFFFE003, lr  }
0x1b: {  	s9 =	sadd.s32 $0xFFFFFEF7, lr;
	s5 =	simm.s32 $0xFFFFFFFF;
	p2 =	slt.u32 s8, $0xFFFFF086  }
0x1c: {  	p1 =	slt.u32 s9, $0xF7A;
	s5 =	simm.s32 @!p2 $0x0  }
0x1d: {  	s5 =	simm.s32 @p1 $0x1;
	p0 =	seq.s32 s7, s2  }
0x1e: {  	s7 =	smul.u32 @!p0 $0xF7A, s2;
	p2 =	seq.s32 @!p0 s5, $0x0  }
0x1f: {  	s9 =	smul.u32 $0xF7A, s1;
	s8 =	simm.s32 @!p0 $0x1BF5;
	p2 =	por !p2, p0  }
0x20: {  	[sflag:s8] =	ssyncset.s32 @!p0 $0xFFFFF086;
	s6 =	sadd.s32 @!p0 s3, s7;
	s7 =	simm.s32 @!p0 $0x108  }
0x21: {  	s3 =	sadd.s32 s3, s9;
	s6 =	sadd.s32 @!p0 $0x88, s6;
	s7 =	simm.s32 @p2 $0x1082  }
0x22: {  	[simem:s7], [sflag:s8] =	dma.local @!p0 [hbm:s6], $0xF7A  }
0x23: {  	s9 =	sor.u32 $0xD0000000, s2;
	s6 =	simm.s32 $0x108;
	_ =	swait.ge @!p0 [sflag:s8], $0x0  }
0x24: {  	s3 =	sadd.s32 $0x88, s3;
	s6 =	simm.s32 @!p1 $0x1082;
	[sflag:s4] =	ssyncset.s32 $0xFFFFF086  }
0x25: {  	[simem:s6], [sflag:s4] =	dma.local [hbm:s3], $0xF7A  }
0x26: {  	[smem:$0x3F91] =	sst s1;
	(tag) =	ssettag s2;
	_ =	strace s9  }
0x27: {  	s1 =	sld [smem:$0x3FA1]  }
0x28: {  	s2 =	sld [smem:$0x3FA2]  }
0x29: {  	s4 =	sld [smem:$0x3FA4]  }
0x2a: {  	p0 =	seq.s32 s5, $0x0;
	s5 =	sld [smem:$0x3FA5]  }
0x2b: {  	s6 =	sld [smem:$0x3FA6]  }
0x2c: {  	s7 =	sld [smem:$0x3FA7]  }
0x2d: {  	s3 =	simm.s32 $0x108;
	s8 =	sld [smem:$0x3FA8]  }
0x2e: {  	s3 =	simm.s32 @!p0 $0x1082;
	s9 =	sld [smem:$0x3FA9]  }
0x2f: {  	lr =	sadd.s32 s0, s3;
	s0 =	sld [smem:$0x3FA0]  }
0x30: {  	s3 =	sld [smem:$0x3FA3]  }
0x31: {  	[smem:$0x3FAC] =	sst s10  }
0x32: {  	s10 =	sld [smem:$0x3FAA];
	_ =	sdelay $0x3  }
0x33: {  	p0 =	seq.s32 s10, $0x1;
	s10 =	sld [smem:$0x3FAC];
	_ =	sdelay $0x3  }
0x34: {  	[smem:$0x3FAC] =	sst s10  }
0x35: {  	s10 =	sld [smem:$0x3FAB];
	_ =	sdelay $0x3  }
0x36: {  	p1 =	seq.s32 s10, $0x1;
	s10 =	sld [smem:$0x3FAC];
	_ =	sdelay $0x3  }
0x37: {  	[smem:$0x3FAC] =	sst s10  }
0x38: {  	s10 =	sld [smem:$0x3FAD]  }
0x39: {  	_ = 	snop;
	(pc) =	sbr.ind lr, $3  }
0x3a: {  	_ = 	snop  }
0x3b: {  	_ = 	snop  }
0x3c: {  	p2 =	seq.s32 s10, $0x1;
	s10 =	sld [smem:$0x3FAC]  }
0x3d: {  	_ =	shalt  }
0x3e: {  	_ =	shalt  }
0x3f: {  	_ =	shalt  }
0x40: {  	_ =	shalt  }
0x41: {  	_ =	shalt  }
0x42: {  	_ =	shalt  }
0x43: {  	_ =	shalt  }
0x44: {  	_ =	shalt  }
0x45: {  	_ =	shalt  }
0x46: {  	_ =	shalt  }
0x47: {  	_ =	shalt  }
0x48: {  	_ =	shalt  }
0x49: {  	_ =	shalt  }
0x4a: {  	_ =	shalt  }
0x4b: {  	_ =	shalt  }
0x4c: {  	_ =	shalt  }
0x4d: {  	_ =	shalt  }
0x4e: {  	_ =	shalt  }
0x4f: {  	_ =	shalt  }
0x50: {  	_ =	shalt  }
0x51: {  	_ =	shalt  }
0x52: {  	_ =	shalt  }
0x53: {  	_ =	shalt  }
0x54: {  	_ =	shalt  }
0x55: {  	_ =	shalt  }
0x56: {  	_ =	shalt  }
0x57: {  	_ =	shalt  }
0x58: {  	_ =	shalt  }
0x59: {  	_ =	shalt  }
0x5a: {  	_ =	shalt  }
0x5b: {  	_ =	shalt  }
0x5c: {  	_ =	shalt  }
0x5d: {  	_ =	shalt  }
0x5e: {  	_ =	shalt  }
0x5f: {  	_ =	shalt  }
0x60: {  	_ =	shalt  }
0x61: {  	_ =	shalt  }
0x62: {  	_ =	shalt  }
0x63: {  	_ =	shalt  }
0x64: {  	_ =	shalt  }
0x65: {  	_ =	shalt  }
0x66: {  	_ =	shalt  }
0x67: {  	_ =	shalt  }
0x68: {  	_ =	shalt  }
0x69: {  	_ =	shalt  }
0x6a: {  	_ =	shalt  }
0x6b: {  	_ =	shalt  }
0x6c: {  	_ =	shalt  }
0x6d: {  	_ =	shalt  }
0x6e: {  	_ =	shalt  }
0x6f: {  	_ =	shalt  }
0x70: {  	_ =	shalt  }
0x71: {  	_ =	shalt  }
0x72: {  	_ =	shalt  }
0x73: {  	_ =	shalt  }
0x74: {  	_ =	shalt  }
0x75: {  	_ =	shalt  }
0x76: {  	_ =	shalt  }
0x77: {  	_ =	shalt  }
0x78: {  	_ =	shalt  }
0x79: {  	_ =	shalt  }
0x7a: {  	_ =	shalt  }
0x7b: {  	_ =	shalt  }
0x7c: {  	_ =	shalt  }
0x7d: {  	_ =	shalt  }
0x7e: {  	_ =	shalt  }
0x7f: {  	_ =	shalt  }
0x80: {  	_ =	shalt  }
0x81: {  	_ =	shalt  }
0x82: {  	_ =	shalt  }
0x83: {  	_ =	shalt  }
0x84: {  	_ =	shalt  }
0x85: {  	_ =	shalt  }
0x86: {  	_ =	shalt  }
0x87: {  	_ =	shalt  }
.Lfunc_end0:
.L_simem_size_0:
called_computation.4_lowered:
.L_overlay_start_0:
0x88: {  	s2 =	sld [smem:$0x3FD9]  }
0x89: {  	s3 =	sld [smem:$0x3FFE];
	_ =	sdelay $0x1  }
0x8a: {  	s1 =	srdreg.scid  }
0x8b: {  	s0 =	sand.u32 $0x1, s1  }
0x8c: {  	s16 =	sshll.u32 s0, $0xA;
	s2 =	sadd.s32 s3, s2  }
0x8d: {  	s2 =	sadd.s32 s2, s16  }
0x8e: {  	[smem:$0x3FB8] =	sst s2  }
0x8f: {  	_ = 	snop  }
0x90: {  	(tm) =	ssettm $0x1  }
0x91: {  	s17 =	sld [smem:$0x3FFB];
	_ =	sdelay $0x3  }
0x92: {  	_ =	strace s17  }
0x93: {  	s2 =	sld [smem:$0x3FFC];
	_ =	sdelay $0x3  }
0x94: {  	_ =	strace s2  }
0x95: {  	s2 =	sld [smem:$0x3FFD];
	_ =	sdelay $0x3  }
0x96: {  	_ =	strace s2  }
0x97: {  	_ =	strace $0x8FFFFFFF  }
0x98: {  	s18 =	sld [smem:$0x3FDB];
	_ =	sdelay $0x1  }
0x99: {  	s19 =	simm.s32 $_scs_section_size  }
0x9a: {  	s4 =	simm.s32 $_size__tile_overlayer_lowered;
	s5 =	simm.s32 $_tile_overlayer_lowered  }
0x9b: {  	s22 =	simm.s32 $0x1BFF;
	s21 =	sshll.u32 s5, $0x1;
	s2 =	sadd.s32 s19, s18  }
0x9c: {  	s6 =	simm.s32 $0x0;
	s20 =	sshll.u32 s4, $0x1;
	s4 =	sadd.s32 s21, s2  }
0x9d: {  	[timem:s6], [sflag:s22] =	dma.local [hbm:s4], s20  }
0x9e: {  	_ =	swait.ge [sflag:s22], s20  }
0x9f: {  	s3 =	ssub.s32 $0x0, s20;
	[sflag:s22] =	ssyncset.done $0x0  }
0xa0: {  	[sflag:s22] =	ssyncadd.s32 s3;
	_ =	sdelay $0x1  }
0xa1: {  	s23 =	simm.s32 $0x1B8B  }
0xa2: {  	_ =	swait.ge [sflag:s23], $0x1  }
0xa3: {  	[sflag:s23] =	ssyncset.done $0x0  }
0xa4: {  	s25 =	simm.s32 $0x1B8E;
	s24 =	sld [smem:$0x3FFE];
	[sflag:s23] =	ssyncadd.s32 $0xFFFFFFFF  }
0xa5: {  	s26 =	simm.s32 $execute0_lowered;
	[smem:$0x3FD2] =	sst s25  }
0xa6: {  	s4 =	sshll.u32 s26, $0x1;
	_ =	strace $0x80000052;
	[dreg:$0x1] =	wrdreg $0xFFFFFFFF  }
0xa7: {  	s28 =	simm.s32 $_size_execute0_lowered;
	s2 =	sadd.s32 s2, s4;
	[dreg:$0x0] =	wrdreg $0x0  }
0xa8: {  	s4 =	sshll.u32 s28, $0x1;
	[dreg:$0x2] =	wrdreg s2  }
0xa9: {  	[dreg:$0x3] =	wrdreg s4  }
0xaa: {  	[dreg:$0x4] =	wrdreg $0xC0  }
0xab: {  	_ =	task [dreg:s6], $0x5FFFF  }
0xac: {  	[dreg:$0x1] =	wrdreg $0xFFFFFFFF  }
0xad: {  	[dreg:$0x0] =	wrdreg $0x60  }
0xae: {  	[dreg:$0x2] =	wrdreg s24  }
0xaf: {  	[dreg:$0x3] =	wrdreg $0x20800  }
0xb0: {  	[dreg:$0x4] =	wrdreg $0x9  }
0xb1: {  	_ =	task.clear_ibuf [dreg:s6], $0x5FFFF;
	_ =	strace $0x90000052  }
0xb2: {  	s29 =	simm.s32 $0x9;
	_ =	strace $0x80000054  }
0xb3: {  	_ =	swait.ge [sflag:s29], $0x1  }
0xb4: {  	[sflag:s29] =	ssyncadd.s32 $0xFFFFFFFF  }
0xb5: {  	_ =	strace $0x90000054  }
0xb6: {  	_ =	sfence  }
0xb7: {  	s30 =	sld [smem:$0x0];
	_ =	sdelay $0x2  }
0xb8: {  	s31 =	sshll.u32 s1, $0xD;
	s1 =	sshrl.u32 s1, $0x2  }
0xb9: {  	s3 =	sand.u32 $0x4000, s31;
	s1 =	sadd.s32 s1, s30  }
0xba: {  	s0 =	sor.u32 s3, s0;
	s1 =	sshll.u32 s1, $0x11  }
0xbb: {  	s0 =	sor.u32 s1, s0  }
0xbc: {  	s0 =	sadd.s32 $0x8F2B, s0  }
0xbd: {  	[sflag:s0] =	ssyncadd.remote.s32 $0x1  }
0xbe: {  	_ =	sfence.sel $0xFFFF  }
0xbf: {  	[dreg:$0x0] =	wrdreg $0xFFFFFFFF;
	(pc) =	sbr.abs _section_cstart, $3  }
0xc0: {  	[dreg:$0x1] =	wrdreg $0xFFFFFFFF  }
0xc1: {  	_ =	task.clear_ibuf [dreg:s6], $0x2FFFF;
	_ =	strace $0x9FFFFFFF  }
0xc2: {  	(tm) =	ssettm $0x7FFFFFFF  }
0xc3: {  	_ =	shalt  }
tec
execute0_lowered:
.L_overlay_start_1:
0x0: {  	(tag) =	ssettag $0x1  }
0x1: {  	s9 =	rddreg [dreg:$0x0]  }
0x2: {  	s2 =	rddreg [dreg:$0x1]  }
0x3: {  	s0 =	rddreg [dreg:$0x2];
	s3 =	simm.s32 $0x0;
	s1 =	stileid.u32  }
0x4: {  	s4 =	srdreg.scid;
	[smem:$0x7FF] =	sst s3;
	s5 =	sshll.u32 s1, $0x8  }
0x5: {  	s21 =	sand.u32 $0x1, s4;
	s25 =	sshll.u32 s1, $0x1;
	s26 =	sshll.u32 s1, $0xB  }
0x6: {  	s28 =	sshll.u32 s1, $0x6;
	_ =	strace $0x80000053;
	s20 =	sadd.s32 s5, s9  }
0x7: {  	s10 =	sor.u32 s21, s25;
	s6 =	sadd.s32 s26, s2;
	s5 =	sor.u32 $0x1C01, s28  }
0x8: {  	s4 =	sadd.s32 $0x17C00, s20;
	s7 =	sshrl.u32 s6, $0x3;
	s6 =	simm.s32 $0x1  }
0x9: {  	[spmem:s7], [sflag:s5] =	dma.local [hbm:s4], $0x100  }
0xa: {  	s19 =	smul.u32 $0x140, s10;
	_ =	swait.ge [sflag:s6], $0x100  }
0xb: {  	[sflag:s6] =	ssyncset.done $0x0  }
0xc: {  	s18 =	sadd.s32 $0x66600, s9;
	s8 =	sshrl.u32 s19, $0x3;
	[sflag:s6] =	ssyncadd.s32 $0xFFFFFF00  }
0xd: {  	s8 =	sadd.s32 s18, s8;
	[bflag:$0x0] =	sbarrier.arrive $0xFFFF  }
0xe: {  	[tilespmem:s3], [sflag:$0x1] =	stream.linear.gather [hbm4b:s8+s3], $0x40, $0x38;
	[tilespmem:$0x2880] =	vst v63  }
0xf: {  	s10 =	smul.u32 $0x1400, s10;
	_ =	swait.ge [sflag:s6], $0x40  }
0x10: {  	s22 =	sadd.s32 $0x66C00, s9;
	[sflag:s6] =	ssyncset.done $0x0  }
0x11: {  	s9 =	sadd.s32 s22, s10;
	s10 =	simm.s32 $0x80;
	[sflag:s6] =	ssyncadd.s32 $0xFFFFFFC0  }
0x12: {  	[tilespmem:s10], [sflag:$0x1] =	stream.linear.gather [hbm4b:s9+s3], $0x2000, $0x38;
	[tilespmem:$0x2880] =	vst v63  }
0x13: {  	_ =	swait.ge [sflag:s6], $0x2000  }
0x14: {  	[sflag:s6] =	ssyncset.done $0x0  }
0x15: {  	s11 =	simm.s32 $0x40;
	[sflag:s6] =	ssyncadd.s32 $0xFFFFE000  }
0x16: {  	[spmem:s2] =	stream.indirect.scatter.add.f32 [tilespmem:s10], [sflag:$0x1], $0x80, s3, s11, $0xb8;
	[tilespmem:$0x2880] =	vst v63  }
0x17: {  	s13 =	sadd.s32 $0x40, s19;
	_ =	swait.ge [sflag:s6], $0x2000  }
0x18: {  	s12 =	sshrl.u32 s13, $0x3;
	[sflag:s6] =	ssyncset.done $0x0  }
0x19: {  	s12 =	sadd.s32 s18, s12;
	[sflag:s6] =	ssyncadd.s32 $0xFFFFE000  }
0x1a: {  	[tilespmem:s3], [sflag:$0x1] =	stream.linear.gather [hbm4b:s12+s3], $0x40, $0x38;
	[tilespmem:$0x2880] =	vst v63  }
0x1b: {  	_ =	swait.ge [sflag:s6], $0x40  }
0x1c: {  	s13 =	sshll.u32 s13, $0x4;
	[sflag:s6] =	ssyncset.done $0x0  }
0x1d: {  	s13 =	sadd.s32 s22, s13;
	[sflag:s6] =	ssyncadd.s32 $0xFFFFFFC0  }
0x1e: {  	[tilespmem:s10], [sflag:$0x1] =	stream.linear.gather [hbm4b:s13+s3], $0x2000, $0x38;
	[tilespmem:$0x2880] =	vst v63  }
0x1f: {  	_ =	swait.ge [sflag:s6], $0x2000  }
0x20: {  	[sflag:s6] =	ssyncset.done $0x0  }
0x21: {  	[sflag:s6] =	ssyncadd.s32 $0xFFFFE000  }
0x22: {  	[spmem:s2] =	stream.indirect.scatter.add.f32 [tilespmem:s10], [sflag:$0x1], $0x80, s3, s11, $0xb8;
	[tilespmem:$0x2880] =	vst v63  }
0x23: {  	s15 =	sadd.s32 $0x80, s19;
	_ =	swait.ge [sflag:s6], $0x2000  }
0x24: {  	s14 =	sshrl.u32 s15, $0x3;
	[sflag:s6] =	ssyncset.done $0x0  }
0x25: {  	s14 =	sadd.s32 s18, s14;
	[sflag:s6] =	ssyncadd.s32 $0xFFFFE000  }
0x26: {  	[tilespmem:s3], [sflag:$0x1] =	stream.linear.gather [hbm4b:s14+s3], $0x40, $0x38;
	[tilespmem:$0x2880] =	vst v63  }
0x27: {  	_ =	swait.ge [sflag:s6], $0x40  }
0x28: {  	s15 =	sshll.u32 s15, $0x4;
	[sflag:s6] =	ssyncset.done $0x0  }
0x29: {  	s15 =	sadd.s32 s22, s15;
	[sflag:s6] =	ssyncadd.s32 $0xFFFFFFC0  }
0x2a: {  	[tilespmem:s10], [sflag:$0x1] =	stream.linear.gather [hbm4b:s15+s3], $0x2000, $0x38;
	[tilespmem:$0x2880] =	vst v63  }
0x2b: {  	_ =	swait.ge [sflag:s6], $0x2000  }
0x2c: {  	[sflag:s6] =	ssyncset.done $0x0  }
0x2d: {  	[sflag:s6] =	ssyncadd.s32 $0xFFFFE000  }
0x2e: {  	[spmem:s2] =	stream.indirect.scatter.add.f32 [tilespmem:s10], [sflag:$0x1], $0x80, s3, s11, $0xb8;
	[tilespmem:$0x2880] =	vst v63  }
0x2f: {  	s17 =	sadd.s32 $0xC0, s19;
	_ =	swait.ge [sflag:s6], $0x2000  }
0x30: {  	s16 =	sshrl.u32 s17, $0x3;
	[sflag:s6] =	ssyncset.done $0x0  }
0x31: {  	s16 =	sadd.s32 s18, s16;
	[sflag:s6] =	ssyncadd.s32 $0xFFFFE000  }
0x32: {  	[tilespmem:s3], [sflag:$0x1] =	stream.linear.gather [hbm4b:s16+s3], $0x40, $0x38;
	[tilespmem:$0x2880] =	vst v63  }
0x33: {  	_ =	swait.ge [sflag:s6], $0x40  }
0x34: {  	s17 =	sshll.u32 s17, $0x4;
	[sflag:s6] =	ssyncset.done $0x0  }
0x35: {  	s17 =	sadd.s32 s22, s17;
	[sflag:s6] =	ssyncadd.s32 $0xFFFFFFC0  }
0x36: {  	[tilespmem:s10], [sflag:$0x1] =	stream.linear.gather [hbm4b:s17+s3], $0x2000, $0x38;
	[tilespmem:$0x2880] =	vst v63  }
0x37: {  	_ =	swait.ge [sflag:s6], $0x2000  }
0x38: {  	[sflag:s6] =	ssyncset.done $0x0  }
0x39: {  	[sflag:s6] =	ssyncadd.s32 $0xFFFFE000  }
0x3a: {  	[spmem:s2] =	stream.indirect.scatter.add.f32 [tilespmem:s10], [sflag:$0x1], $0x80, s3, s11, $0xb8;
	[tilespmem:$0x2880] =	vst v63  }
0x3b: {  	s19 =	sadd.s32 $0x100, s19;
	_ =	swait.ge [sflag:s6], $0x2000  }
0x3c: {  	s23 =	sshrl.u32 s19, $0x3;
	[sflag:s6] =	ssyncset.done $0x0  }
0x3d: {  	s18 =	sadd.s32 s18, s23;
	[sflag:s6] =	ssyncadd.s32 $0xFFFFE000  }
0x3e: {  	[tilespmem:s3], [sflag:$0x1] =	stream.linear.gather [hbm4b:s18+s3], $0x40, $0x38;
	[tilespmem:$0x2880] =	vst v63  }
0x3f: {  	_ =	swait.ge [sflag:s6], $0x40  }
0x40: {  	s19 =	sshll.u32 s19, $0x4;
	[sflag:s6] =	ssyncset.done $0x0  }
0x41: {  	s19 =	sadd.s32 s22, s19;
	[sflag:s6] =	ssyncadd.s32 $0xFFFFFFC0  }
0x42: {  	[tilespmem:s10], [sflag:$0x1] =	stream.linear.gather [hbm4b:s19+s3], $0x2000, $0x38;
	[tilespmem:$0x2880] =	vst v63  }
0x43: {  	s29 =	ssub.s32 $0x2, s21;
	_ =	swait.ge [sflag:s6], $0x2000  }
0x44: {  	s30 =	sshrl.u32 s29, $0x1;
	[sflag:s6] =	ssyncset.done $0x0  }
0x45: {  	s22 =	ssub.s32 s29, s30;
	[sflag:s6] =	ssyncadd.s32 $0xFFFFE000  }
0x46: {  	[spmem:s2] =	stream.indirect.scatter.add.f32 [tilespmem:s10], [sflag:$0x1], $0x80, s3, s11, $0xb8;
	[tilespmem:$0x2880] =	vst v63  }
0x47: {  	s31 =	smax.u32 s22, $0x1;
	_ =	swait.ge [sflag:s6], $0x2000  }
0x48: {  	s21 =	sshll.u32 s21, $0xC;
	p0 =	sne.s32 s31, $0x1;
	[sflag:s6] =	ssyncset.done $0x0  }
.Ltmp0:
0x49: {  	s20 =	sadd.s32 s21, s20;
	[sflag:s6] =	ssyncadd.s32 $0xFFFFE000;
	(pc) =	sbr.rel @!p0 .LBB2_2-.Ltmp0, $4  }
0x4a: {  	s20 =	sadd.s32 $0x4000, s20;
	[bflag:$0x0] =	sbarrier.arrive $0xFFFF  }
0x4b: {  	[hbm:s20], [sflag:s5] =	dma.local [spmem:s7], $0x100  }
0x4c: {  	_ =	swait.ge [sflag:s6], $0x100  }
0x4d: {  	s21 =	sadd.s32 $0xFFFFFFFF, s31;
	[sflag:s6] =	ssyncset.done $0x0  }
.LBB2_1:
0x4e: {  	p0 =	sne.s32 s21, $0x1;
	s21 =	sadd.s32 $0xFFFFFFFF, s21;
	[sflag:s6] =	ssyncadd.s32 $0xFFFFFF00  }
0x4f: {  	[spmem:s7], [sflag:s5] =	dma.local [hbm:s4], $0x100  }
0x50: {  	_ =	swait.ge [sflag:s6], $0x100  }
0x51: {  	[sflag:s6] =	ssyncset.done $0x0  }
0x52: {  	[sflag:s6] =	ssyncadd.s32 $0xFFFFFF00  }
0x53: {  	[bflag:$0x0] =	sbarrier.arrive $0xFFFF  }
0x54: {  	[tilespmem:s3], [sflag:$0x1] =	stream.linear.gather [hbm4b:s8+s3], $0x40, $0x38;
	[tilespmem:$0x2880] =	vst v63  }
0x55: {  	_ =	swait.ge [sflag:s6], $0x40  }
0x56: {  	[sflag:s6] =	ssyncset.done $0x0  }
0x57: {  	[sflag:s6] =	ssyncadd.s32 $0xFFFFFFC0  }
0x58: {  	[tilespmem:s10], [sflag:$0x1] =	stream.linear.gather [hbm4b:s9+s3], $0x2000, $0x38;
	[tilespmem:$0x2880] =	vst v63  }
0x59: {  	_ =	swait.ge [sflag:s6], $0x2000  }
0x5a: {  	[sflag:s6] =	ssyncset.done $0x0  }
0x5b: {  	[sflag:s6] =	ssyncadd.s32 $0xFFFFE000  }
0x5c: {  	[spmem:s2] =	stream.indirect.scatter.add.f32 [tilespmem:s10], [sflag:$0x1], $0x80, s3, s11, $0xb8;
	[tilespmem:$0x2880] =	vst v63  }
0x5d: {  	_ =	swait.ge [sflag:s6], $0x2000  }
0x5e: {  	[sflag:s6] =	ssyncset.done $0x0  }
0x5f: {  	[sflag:s6] =	ssyncadd.s32 $0xFFFFE000  }
0x60: {  	[tilespmem:s3], [sflag:$0x1] =	stream.linear.gather [hbm4b:s12+s3], $0x40, $0x38;
	[tilespmem:$0x2880] =	vst v63  }
0x61: {  	_ =	swait.ge [sflag:s6], $0x40  }
0x62: {  	[sflag:s6] =	ssyncset.done $0x0  }
0x63: {  	[sflag:s6] =	ssyncadd.s32 $0xFFFFFFC0  }
0x64: {  	[tilespmem:s10], [sflag:$0x1] =	stream.linear.gather [hbm4b:s13+s3], $0x2000, $0x38;
	[tilespmem:$0x2880] =	vst v63  }
0x65: {  	_ =	swait.ge [sflag:s6], $0x2000  }
0x66: {  	[sflag:s6] =	ssyncset.done $0x0  }
0x67: {  	[sflag:s6] =	ssyncadd.s32 $0xFFFFE000  }
0x68: {  	[spmem:s2] =	stream.indirect.scatter.add.f32 [tilespmem:s10], [sflag:$0x1], $0x80, s3, s11, $0xb8;
	[tilespmem:$0x2880] =	vst v63  }
0x69: {  	_ =	swait.ge [sflag:s6], $0x2000  }
0x6a: {  	[sflag:s6] =	ssyncset.done $0x0  }
0x6b: {  	[sflag:s6] =	ssyncadd.s32 $0xFFFFE000  }
0x6c: {  	[tilespmem:s3], [sflag:$0x1] =	stream.linear.gather [hbm4b:s14+s3], $0x40, $0x38;
	[tilespmem:$0x2880] =	vst v63  }
0x6d: {  	_ =	swait.ge [sflag:s6], $0x40  }
0x6e: {  	[sflag:s6] =	ssyncset.done $0x0  }
0x6f: {  	[sflag:s6] =	ssyncadd.s32 $0xFFFFFFC0  }
0x70: {  	[tilespmem:s10], [sflag:$0x1] =	stream.linear.gather [hbm4b:s15+s3], $0x2000, $0x38;
	[tilespmem:$0x2880] =	vst v63  }
0x71: {  	_ =	swait.ge [sflag:s6], $0x2000  }
0x72: {  	[sflag:s6] =	ssyncset.done $0x0  }
0x73: {  	[sflag:s6] =	ssyncadd.s32 $0xFFFFE000  }
0x74: {  	[spmem:s2] =	stream.indirect.scatter.add.f32 [tilespmem:s10], [sflag:$0x1], $0x80, s3, s11, $0xb8;
	[tilespmem:$0x2880] =	vst v63  }
0x75: {  	_ =	swait.ge [sflag:s6], $0x2000  }
0x76: {  	[sflag:s6] =	ssyncset.done $0x0  }
0x77: {  	[sflag:s6] =	ssyncadd.s32 $0xFFFFE000  }
0x78: {  	[tilespmem:s3], [sflag:$0x1] =	stream.linear.gather [hbm4b:s16+s3], $0x40, $0x38;
	[tilespmem:$0x2880] =	vst v63  }
0x79: {  	_ =	swait.ge [sflag:s6], $0x40  }
0x7a: {  	[sflag:s6] =	ssyncset.done $0x0  }
0x7b: {  	[sflag:s6] =	ssyncadd.s32 $0xFFFFFFC0  }
0x7c: {  	[tilespmem:s10], [sflag:$0x1] =	stream.linear.gather [hbm4b:s17+s3], $0x2000, $0x38;
	[tilespmem:$0x2880] =	vst v63  }
0x7d: {  	_ =	swait.ge [sflag:s6], $0x2000  }
0x7e: {  	[sflag:s6] =	ssyncset.done $0x0  }
0x7f: {  	[sflag:s6] =	ssyncadd.s32 $0xFFFFE000  }
0x80: {  	[spmem:s2] =	stream.indirect.scatter.add.f32 [tilespmem:s10], [sflag:$0x1], $0x80, s3, s11, $0xb8;
	[tilespmem:$0x2880] =	vst v63  }
0x81: {  	_ =	swait.ge [sflag:s6], $0x2000  }
0x82: {  	[sflag:s6] =	ssyncset.done $0x0  }
0x83: {  	[sflag:s6] =	ssyncadd.s32 $0xFFFFE000  }
0x84: {  	[tilespmem:s3], [sflag:$0x1] =	stream.linear.gather [hbm4b:s18+s3], $0x40, $0x38;
	[tilespmem:$0x2880] =	vst v63  }
0x85: {  	_ =	swait.ge [sflag:s6], $0x40  }
0x86: {  	[sflag:s6] =	ssyncset.done $0x0  }
0x87: {  	[sflag:s6] =	ssyncadd.s32 $0xFFFFFFC0  }
0x88: {  	[tilespmem:s10], [sflag:$0x1] =	stream.linear.gather [hbm4b:s19+s3], $0x2000, $0x38;
	[tilespmem:$0x2880] =	vst v63  }
0x89: {  	_ =	swait.ge [sflag:s6], $0x2000  }
0x8a: {  	[sflag:s6] =	ssyncset.done $0x0  }
0x8b: {  	[sflag:s6] =	ssyncadd.s32 $0xFFFFE000  }
0x8c: {  	[spmem:s2] =	stream.indirect.scatter.add.f32 [tilespmem:s10], [sflag:$0x1], $0x80, s3, s11, $0xb8;
	[tilespmem:$0x2880] =	vst v63  }
0x8d: {  	_ =	swait.ge [sflag:s6], $0x2000  }
0x8e: {  	[sflag:s6] =	ssyncset.done $0x0  }
.Ltmp1:
0x8f: {  	[sflag:s6] =	ssyncadd.s32 $0xFFFFE000;
	(pc) =	sbr.rel @p0 .LBB2_1-.Ltmp1, $4  }
0x90: {  	[bflag:$0x0] =	sbarrier.arrive $0xFFFF  }
0x91: {  	[hbm:s20], [sflag:s5] =	dma.local [spmem:s7], $0x100  }
0x92: {  	_ =	swait.ge [sflag:s6], $0x100  }
0x93: {  	[sflag:s6] =	ssyncset.done $0x0  }
.LBB2_2:
0x94: {  	[sflag:s6] =	ssyncadd.s32 $0xFFFFFF00  }
0x95: {  	_ =	sfence.sel $0x180000  }
0x96: {  	[bflag:$0x0] =	sbarrier.arrive $0xFFFF  }
0x97: {  	p0 =	sne.s32 s1, $0x0;
	_ =	strace $0x90000053  }
0x98: {  	s0 =	sadd.s32 @!p0 $0x100000, s0;
	[bflag:$0x2] =	sbarrier.arrive $0xFFFF  }
0x99: {  	[sflag:s0] =	ssyncadd.tile.s32 @!p0 $0x1;
	_ =	shalt  }
.Lfunc_end2:
_tile_overlayer_lowered:
.L_overlay_start_2:
0x9a: {  	(tag) =	ssettag $0x2  }
0x9b: {  	s0 =	rddreg [dreg:$0x0];
	s2 =	stileid.u32  }
0x9c: {  	s1 =	rddreg [dreg:$0x1];
	p0 =	sne.s32 s2, $0x0  }
0x9d: {  	s3 =	rddreg [dreg:$0x2];
	[bflag:$0x3] =	sbarrier.arrive $0xFFFF;
	s2 =	simm.s32 @!p0 $0x1C01  }
0x9e: {  	[timem:s3], [sflag:s2] =	dma.local @!p0 [hbm:s0], s1  }
0x9f: {  	s0 =	simm.s32 @!p0 $0x1  }
0xa0: {  	_ =	swait.ge @!p0 [sflag:s0], s1  }
0xa1: {  	s1 =	ssub.s32 @!p0 $0x0, s1;
	[sflag:s0] =	ssyncset.done @!p0 $0x0  }
0xa2: {  	[sflag:s0] =	ssyncadd.s32 @!p0 s1  }
0xa3: {  	[bflag:$0x3] =	sbarrier.arrive $0xFFFF  }
0xa4: {  	_ =	shalt  }

</sc_bundles>
